<compile_context>
chip_gen: v7x
topology: tpu7x:2x2x1
jax: 0.10.2.dev20260603
libtpu: 0.0.44.dev20260713+nightly
codegen_flags: <defaults>
</compile_context>

<pallas_src>
import jax
import jax.numpy as jnp
from jax import lax
from jax.experimental import pallas as pl
from jax.experimental.pallas import tpu as pltpu
from jax.experimental.pallas import tpu_sc as plsc

_NUM_USERS = 1000000
_EMBED_DIM = 64
_BATCH = 16384

_info = plsc.get_sparse_core_info()
_NC, _NS = _info.num_cores, _info.num_subcores
_NW = _NC * _NS

_SLAB = 256
_NSLAB = _NUM_USERS // _SLAB
_MAIN_USERS = _NSLAB * _SLAB
_TAIL = _NUM_USERS - _MAIN_USERS
_SPW = _NSLAB // _NW
_EXTRA = _NSLAB - _SPW * _NW
_RANGE = _SPW * _SLAB
_SLAB_SHIFT = _SLAB.bit_length() - 1
_NBUF = 4
_NIDXV = _BATCH // 16
_RING = 16
_NBUCKET = _SPW + _EXTRA + 1


def _gather_body(idx_hbm, tablet_hbm, tail_hbm, out_hbm,
                 idx_v, kloc_v, sorted_k, slab_a, slab_b, slab_c, slab_d,
                 rowring_v, tail_v, cnt_s, start_s,
                 sem_a, sem_b, sem_c, sem_d, sem_out):
    wid = lax.axis_index("s") * _NC + lax.axis_index("c")
    lo = wid * _RANGE
    is_last = wid == _NW - 1
    nslabs_w = _SPW + jnp.where(is_last, _EXTRA, 0)
    hi = lo + nslabs_w * _SLAB

    slabs = (slab_a, slab_b, slab_c, slab_d)
    sems = (sem_a, sem_b, sem_c, sem_d)

    def slab_copy(s, buf, sem):
        base_u = pl.multiple_of(lo + s * _SLAB, _SLAB)
        return pltpu.make_async_copy(
            tablet_hbm.at[:, pl.ds(base_u, _SLAB)], buf, sem)

    for _p in range(_NBUF - 1):
        slab_copy(_p, slabs[_p], sems[_p]).start()

    pltpu.sync_copy(idx_hbm, idx_v.at[pl.ds(0, _BATCH)])

    iota = lax.iota(jnp.int32, 16)
    tail_thresh = jnp.where(is_last, _MAIN_USERS, jnp.iinfo(jnp.int32).max)
    jvecs = [k * 16 + iota for k in range(_EMBED_DIM // 16)]

    def scan(t, nacc):
        iv = idx_v[pl.ds(t * 16, 16)]
        kv = t * 16 + iota
        m = ((iv >= lo) & (iv < hi)) | (iv >= tail_thresh)
        cs = plsc.cumsum(jnp.where(m, 1, 0).astype(jnp.int32))
        pos = jnp.where(m, nacc + cs - 1, _BATCH)
        plsc.store_scatter(kloc_v, [pos], kv)
        return nacc + cs[15]

    n = lax.fori_loop(0, _NIDXV, scan, 0)

    def zero(s, carry):
        cnt_s[s] = 0
        return carry

    lax.fori_loop(0, _NBUCKET + 1, zero, 0)

    def hist(q, carry):
        k = kloc_v[pl.ds(q, 16)][0]
        i = idx_v[pl.ds(k, 16)][0]
        s = lax.shift_right_logical(i - lo, _SLAB_SHIFT)
        cnt_s[s] = cnt_s[s] + 1
        return carry

    lax.fori_loop(0, n, hist, 0)

    def prefix(s, acc):
        start_s[s] = acc
        nxt = acc + cnt_s[s]
        cnt_s[s] = acc
        return nxt

    lax.fori_loop(0, _NBUCKET + 1, prefix, 0)

    def place(q, carry):
        k = kloc_v[pl.ds(q, 16)][0]
        i = idx_v[pl.ds(k, 16)][0]
        s = lax.shift_right_logical(i - lo, _SLAB_SHIFT)
        p = cnt_s[s]
        cnt_s[s] = p + 1
        posv = jnp.where(iota == 0, p, _BATCH)
        plsc.store_scatter(sorted_k, [posv], jnp.full((16,), k, jnp.int32))
        return carry

    lax.fori_loop(0, n, place, 0)

    def emit(q, dmas, base_u, gather_row):
        k = sorted_k[pl.ds(q, 16)][0]
        i = idx_v[pl.ds(k, 16)][0]
        slot = jnp.bitwise_and(dmas, _RING - 1)
        gather_row(slot, i - base_u)
        pltpu.async_copy(rowring_v.at[pl.ds(slot, 1)],
                         out_hbm.at[pl.ds(k, 1)], sem_out)

        @pl.when(dmas >= _RING - 1)
        def _():
            pltpu.make_async_copy(out_hbm.at[pl.ds(0, 1)],
                                  rowring_v.at[pl.ds(0, 1)],
                                  sem_out).wait()

        return dmas + 1

    def do_slab(s, dmas, buf, sem, pf_buf, pf_sem):
        def run(dmas):
            base_u = lo + s * _SLAB
            pltpu.make_async_copy(
                tablet_hbm.at[:, pl.ds(0, _SLAB)], buf, sem).wait()

            @pl.when(s + _NBUF - 1 < nslabs_w)
            def _():
                slab_copy(s + _NBUF - 1, pf_buf, pf_sem).start()

            def per_row(q, dmas):
                def gather_row(slot, c_scalar):
                    c = jnp.full((16,), c_scalar, jnp.int32)
                    for kk, jv in enumerate(jvecs):
                        rowring_v[slot, pl.ds(kk * 16, 16)] = (
                            plsc.load_gather(buf, [jv, c]))

                return emit(q, dmas, base_u, gather_row)

            return lax.fori_loop(start_s[s], start_s[s + 1], per_row, dmas)

        return lax.cond(s < nslabs_w, run, lambda d: d, dmas)

    def buf_group(h, dmas):
        for j in range(_NBUF):
            pj = (j + _NBUF - 1) % _NBUF
            dmas = do_slab(_NBUF * h + j, dmas, slabs[j], sems[j],
                           slabs[pj], sems[pj])
        return dmas

    dmas = lax.fori_loop(0, (_SPW + _EXTRA + _NBUF - 1) // _NBUF,
                         buf_group, 0)

    def tail_fn(dmas):
        pltpu.sync_copy(tail_hbm, tail_v)

        def per_row(q, dmas):
            def gather_row(slot, r_scalar):
                r = jnp.full((16,), r_scalar, jnp.int32)
                for kk, jv in enumerate(jvecs):
                    rowring_v[slot, pl.ds(kk * 16, 16)] = (
                        plsc.load_gather(tail_v, [r, jv]))

            return emit(q, dmas, _MAIN_USERS, gather_row)

        return lax.fori_loop(start_s[_NBUCKET - 1], start_s[_NBUCKET],
                             per_row, dmas)

    dmas = lax.cond(is_last, tail_fn, lambda d: d, dmas)

    def drain(q, carry):
        @pl.when(q < dmas)
        def _wait():
            pltpu.make_async_copy(out_hbm.at[pl.ds(0, 1)],
                                  rowring_v.at[pl.ds(0, 1)],
                                  sem_out).wait()
        return carry

    lax.fori_loop(0, _RING - 1, drain, 0)


_mesh = plsc.VectorSubcoreMesh(
    core_axis_name="c", subcore_axis_name="s", num_cores=_NC, num_subcores=_NS)

_gather = pl.kernel(
    _gather_body,
    mesh=_mesh,
    out_type=jax.ShapeDtypeStruct((_BATCH, _EMBED_DIM), jnp.float32),
    scratch_types=[
        pltpu.VMEM((_BATCH + 16,), jnp.int32),
        pltpu.VMEM((_BATCH + 16,), jnp.int32),
        pltpu.VMEM((_BATCH + 16,), jnp.int32),
        pltpu.VMEM((_EMBED_DIM, _SLAB), jnp.float32),
        pltpu.VMEM((_EMBED_DIM, _SLAB), jnp.float32),
        pltpu.VMEM((_EMBED_DIM, _SLAB), jnp.float32),
        pltpu.VMEM((_EMBED_DIM, _SLAB), jnp.float32),
        pltpu.VMEM((_RING, _EMBED_DIM), jnp.float32),
        pltpu.VMEM((_TAIL, _EMBED_DIM), jnp.float32),
        pltpu.SMEM((_NBUCKET + 1,), jnp.int32),
        pltpu.SMEM((_NBUCKET + 1,), jnp.int32),
        pltpu.SemaphoreType.DMA,
        pltpu.SemaphoreType.DMA,
        pltpu.SemaphoreType.DMA,
        pltpu.SemaphoreType.DMA,
        pltpu.SemaphoreType.DMA,
    ],
    compiler_params=pltpu.CompilerParams(
        use_tc_tiling_on_sc=True, needs_layout_passes=False),
)


@jax.jit
def kernel(user_idx, table):
    tail = table[_MAIN_USERS:, :]
    return _gather(user_idx.astype(jnp.int32), table.T, tail)

# --- scband reference (transcript-rebuilt; emitter-appended) ---
"""Pipeline reference for scband-user-embeddings-89094801588779 (READ-ONLY COPY).

The authoritative reference and input builder live on the scoring server;
editing this copy changes nothing except your own understanding.
"""

import jax, jax.numpy as jnp
import numpy as np

NUM_USERS = 1000000
EMBED_DIM = 64
BATCH = 16384

def setup_inputs(seed: int = 0) -> dict:
    key = jax.random.key(seed)
    k_idx, k_tab = jax.random.split(key)
    user_idx = jax.random.randint(k_idx, (BATCH,), 0, NUM_USERS, dtype=jnp.int64 if jax.config.jax_enable_x64 else jnp.int32)
    # nn.Embedding default init: N(0, 1)
    table = jax.random.normal(k_tab, (NUM_USERS, EMBED_DIM), dtype=jnp.float32)
    return {"user_idx": user_idx, "table": table}

def reference(user_idx, table):
    # embedding lookup: gather rows of the table
    embed = jnp.take(table, user_idx, axis=0)
    return embed

if __name__ == "__main__":
    import jax
    _d = setup_inputs()
    print(jax.jit(kernel)(*tuple(_d.values())))

</pallas_src>

<mosaic_0001>
#map = affine_map<(d0, d1) -> (0)>
#map1 = affine_map<(d0, d1) -> (0, 0)>
module attributes {stable_mosaic.version = 14 : i64} {
  func.func @_gather_body(%arg0: i32, %arg1: i32, %arg2: memref<16384xi32, #tpu.memory_space<hbm>>, %arg3: memref<64x1000000xf32, #tpu.memory_space<hbm>>, %arg4: memref<64x64xf32, #tpu.memory_space<hbm>>, %arg5: memref<16384x64xf32, #tpu.memory_space<hbm>>, %arg6: memref<16400xi32, #tpu.memory_space<vmem>>, %arg7: memref<16400xi32, #tpu.memory_space<vmem>>, %arg8: memref<16400xi32, #tpu.memory_space<vmem>>, %arg9: memref<64x256xf32, #tpu.memory_space<vmem>>, %arg10: memref<64x256xf32, #tpu.memory_space<vmem>>, %arg11: memref<64x256xf32, #tpu.memory_space<vmem>>, %arg12: memref<64x256xf32, #tpu.memory_space<vmem>>, %arg13: memref<16x64xf32, #tpu.memory_space<vmem>>, %arg14: memref<64x64xf32, #tpu.memory_space<vmem>>, %arg15: memref<126xi32, #tpu.memory_space<smem>>, %arg16: memref<126xi32, #tpu.memory_space<smem>>, %arg17: memref<!tpu.dma_semaphore, #tpu.memory_space<semaphore_mem>>, %arg18: memref<!tpu.dma_semaphore, #tpu.memory_space<semaphore_mem>>, %arg19: memref<!tpu.dma_semaphore, #tpu.memory_space<semaphore_mem>>, %arg20: memref<!tpu.dma_semaphore, #tpu.memory_space<semaphore_mem>>, %arg21: memref<!tpu.dma_semaphore, #tpu.memory_space<semaphore_mem>>) attributes {dimension_semantics = [#tpu.dimension_semantics<core_parallel>, #tpu.dimension_semantics<subcore_parallel>], iteration_bounds = array<i64: 2, 16>, scalar_prefetch = 0 : i64, scratch_operands = 16 : i64, tpu.core_type = #tpu.core_type<sc_vector_subcore>, window_params = [{transform_indices = #map}, {transform_indices = #map1}, {transform_indices = #map1}, {transform_indices = #map1}]} {
    %mul3A = arith.constant 2 : i32
    %mul3A_0 = arith.muli %arg1, %mul3A : i32
    %add3A = arith.addi %mul3A_0, %arg0 : i32
    %mul3A_1 = arith.constant 31232 : i32
    %mul3A_2 = arith.muli %add3A, %mul3A_1 : i32
    %eq3A = arith.constant 31 : i32
    %eq3A_3 = arith.cmpi eq, %add3A, %eq3A : i32
    %jit3A = arith.constant 2 : i32
    %jit3A_4 = arith.constant 0 : i32
    %select_n3A = arith.select %eq3A_3, %jit3A, %jit3A_4 : i32
    %add3A_5 = arith.constant 122 : i32
    %add3A_6 = arith.addi %add3A_5, %select_n3A : i32
    %mul3A_7 = arith.constant 256 : i32
    %mul3A_8 = arith.muli %add3A_6, %mul3A_7 : i32
    %add3A_9 = arith.addi %mul3A_2, %mul3A_8 : i32
    %add3A_10 = arith.constant 0 : i32
    %add3A_11 = arith.addi %mul3A_2, %add3A_10 : i32
    %multiple_of3A = tpu.assume_multiple %add3A_11, 256 : i32
    %dma_start3A = arith.constant 0 : i32
    %dma_start3A_12 = tpu.memref_slice %arg3[%dma_start3A, %multiple_of3A] : memref<64x1000000xf32, #tpu.memory_space<hbm>> -> memref<64x256xf32, #tpu.memory_space<hbm>>
    %dma_start3A_13 = arith.constant 0 : i32
    %dma_start3A_14 = tpu.memref_slice %arg3[%dma_start3A_13, %multiple_of3A] : memref<64x1000000xf32, #tpu.memory_space<hbm>> -> memref<64x256xf32, #tpu.memory_space<hbm>>
    tpu.enqueue_dma source(%dma_start3A_14 : memref<64x256xf32, #tpu.memory_space<hbm>>) target(%arg9 : memref<64x256xf32, #tpu.memory_space<vmem>>) target_semaphore(%arg17 : memref<!tpu.dma_semaphore, #tpu.memory_space<semaphore_mem>>)
    %add3A_15 = arith.constant 256 : i32
    %add3A_16 = arith.addi %mul3A_2, %add3A_15 : i32
    %multiple_of3A_17 = tpu.assume_multiple %add3A_16, 256 : i32
    %dma_start3A_18 = arith.constant 0 : i32
    %dma_start3A_19 = tpu.memref_slice %arg3[%dma_start3A_18, %multiple_of3A_17] : memref<64x1000000xf32, #tpu.memory_space<hbm>> -> memref<64x256xf32, #tpu.memory_space<hbm>>
    %dma_start3A_20 = arith.constant 0 : i32
    %dma_start3A_21 = tpu.memref_slice %arg3[%dma_start3A_20, %multiple_of3A_17] : memref<64x1000000xf32, #tpu.memory_space<hbm>> -> memref<64x256xf32, #tpu.memory_space<hbm>>
    tpu.enqueue_dma source(%dma_start3A_21 : memref<64x256xf32, #tpu.memory_space<hbm>>) target(%arg10 : memref<64x256xf32, #tpu.memory_space<vmem>>) target_semaphore(%arg18 : memref<!tpu.dma_semaphore, #tpu.memory_space<semaphore_mem>>)
    %add3A_22 = arith.constant 512 : i32
    %add3A_23 = arith.addi %mul3A_2, %add3A_22 : i32
    %multiple_of3A_24 = tpu.assume_multiple %add3A_23, 256 : i32
    %dma_start3A_25 = arith.constant 0 : i32
    %dma_start3A_26 = tpu.memref_slice %arg3[%dma_start3A_25, %multiple_of3A_24] : memref<64x1000000xf32, #tpu.memory_space<hbm>> -> memref<64x256xf32, #tpu.memory_space<hbm>>
    %dma_start3A_27 = arith.constant 0 : i32
    %dma_start3A_28 = tpu.memref_slice %arg3[%dma_start3A_27, %multiple_of3A_24] : memref<64x1000000xf32, #tpu.memory_space<hbm>> -> memref<64x256xf32, #tpu.memory_space<hbm>>
    tpu.enqueue_dma source(%dma_start3A_28 : memref<64x256xf32, #tpu.memory_space<hbm>>) target(%arg11 : memref<64x256xf32, #tpu.memory_space<vmem>>) target_semaphore(%arg19 : memref<!tpu.dma_semaphore, #tpu.memory_space<semaphore_mem>>)
    "tpu.region"() ({
      %run_scoped3A = tpu.sem_alloc : memref<!tpu.dma_semaphore, #tpu.memory_space<semaphore_mem>>
      %dma_start3A_97 = arith.constant 0 : i32
      %dma_start3A_98 = tpu.memref_slice %arg6[%dma_start3A_97] : memref<16400xi32, #tpu.memory_space<vmem>> -> memref<16384xi32, #tpu.memory_space<vmem>>
      %dma_start3A_99 = arith.constant 0 : i32
      %dma_start3A_100 = tpu.memref_slice %arg6[%dma_start3A_99] : memref<16400xi32, #tpu.memory_space<vmem>> -> memref<16384xi32, #tpu.memory_space<vmem>>
      tpu.enqueue_dma source(%arg2 : memref<16384xi32, #tpu.memory_space<hbm>>) target(%dma_start3A_100 : memref<16384xi32, #tpu.memory_space<vmem>>) target_semaphore(%run_scoped3A : memref<!tpu.dma_semaphore, #tpu.memory_space<semaphore_mem>>)
      %dma_wait3A = arith.constant 0 : i32
      %dma_wait3A_101 = tpu.memref_slice %arg6[%dma_wait3A] : memref<16400xi32, #tpu.memory_space<vmem>> -> memref<16384xi32, #tpu.memory_space<vmem>>
      %dma_wait3A_102 = arith.constant 0 : i32
      %dma_wait3A_103 = tpu.memref_slice %arg6[%dma_wait3A_102] : memref<16400xi32, #tpu.memory_space<vmem>> -> memref<16384xi32, #tpu.memory_space<vmem>>
      tpu.wait_dma2 semaphore(%run_scoped3A : memref<!tpu.dma_semaphore, #tpu.memory_space<semaphore_mem>>) src(%arg2 : memref<16384xi32, #tpu.memory_space<hbm>>) dst(%dma_wait3A_103 : memref<16384xi32, #tpu.memory_space<vmem>>)
      tpu.yield
    }) : () -> ()
    %iota3A = tpu.iota {dimensions = array<i32: 0>} : vector<16xi32>
    %jit3A_29 = arith.constant 999936 : i32
    %jit3A_30 = arith.constant 2147483647 : i32
    %select_n3A_31 = arith.select %eq3A_3, %jit3A_29, %jit3A_30 : i32
    %add3A_32 = arith.constant 0 : i32
    %add3A_33 = vector.broadcast %add3A_32 : i32 to vector<16xi32>
    %add3A_34 = arith.addi %add3A_33, %iota3A : vector<16xi32>
    %add3A_35 = arith.constant 16 : i32
    %add3A_36 = vector.broadcast %add3A_35 : i32 to vector<16xi32>
    %add3A_37 = arith.addi %add3A_36, %iota3A : vector<16xi32>
    %add3A_38 = arith.constant 32 : i32
    %add3A_39 = vector.broadcast %add3A_38 : i32 to vector<16xi32>
    %add3A_40 = arith.addi %add3A_39, %iota3A : vector<16xi32>
    %add3A_41 = arith.constant 48 : i32
    %add3A_42 = vector.broadcast %add3A_41 : i32 to vector<16xi32>
    %add3A_43 = arith.addi %add3A_42, %iota3A : vector<16xi32>
    %scan3A = arith.constant 0 : i32
    %scan3A_44 = arith.constant 0 : i32
    %scan3A_45 = arith.constant 1024 : i32
    %scan3A_46 = arith.addi %scan3A_44, %scan3A_45 : i32
    %scan3A_47 = arith.constant 1 : i32
    %scan3A_48 = scf.for %scan3A_97 = %scan3A_44 to %scan3A_46 step %scan3A_47 iter_args(%scan3A_98 = %scan3A) -> (i32)  : i32 {
      %mul3A_99 = arith.constant 16 : i32
      %mul3A_100 = arith.muli %scan3A_97, %mul3A_99 : i32
      %get3A = arith.index_cast %mul3A_100 : i32 to index
      %get3A_101 = tpu.vector_load %arg6[%get3A] {strides = array<i32>} : memref<16400xi32, #tpu.memory_space<vmem>>, vector<16xi32>,
      %mul3A_102 = arith.constant 16 : i32
      %mul3A_103 = arith.muli %scan3A_97, %mul3A_102 : i32
      %add3A_104 = vector.broadcast %mul3A_103 : i32 to vector<16xi32>
      %add3A_105 = arith.addi %add3A_104, %iota3A : vector<16xi32>
      %ge3A = vector.broadcast %mul3A_2 : i32 to vector<16xi32>
      %ge3A_106 = arith.cmpi sge, %get3A_101, %ge3A : vector<16xi32>
      %lt3A = vector.broadcast %add3A_9 : i32 to vector<16xi32>
      %lt3A_107 = arith.cmpi slt, %get3A_101, %lt3A : vector<16xi32>
      %and3A = arith.andi %ge3A_106, %lt3A_107 : vector<16xi1>
      %ge3A_108 = vector.broadcast %select_n3A_31 : i32 to vector<16xi32>
      %ge3A_109 = arith.cmpi sge, %get3A_101, %ge3A_108 : vector<16xi32>
      %or3A = arith.ori %and3A, %ge3A_109 : vector<16xi1>
      %jit3A_110 = arith.constant 1 : i32
      %jit3A_111 = arith.constant 0 : i32
      %broadcast_in_dim3A = vector.broadcast %jit3A_110 : i32 to vector<16xi32>
      %broadcast_in_dim3A_112 = vector.broadcast %jit3A_111 : i32 to vector<16xi32>
      %select_n3A_113 = arith.select %or3A, %broadcast_in_dim3A, %broadcast_in_dim3A_112 : vector<16xi1>, vector<16xi32>
      %broadcast_in_dim3A_114 = arith.constant true
      %broadcast_in_dim3A_115 = vector.broadcast %broadcast_in_dim3A_114 : i1 to vector<16xi1>
      %masked_cumsum3A = tpu.scan <sum>, %select_n3A_113 masked %broadcast_in_dim3A_115 : vector<16xi32>, vector<16xi1> -> vector<16xi32>
      %add3A_116 = vector.broadcast %scan3A_98 : i32 to vector<16xi32>
      %add3A_117 = arith.addi %add3A_116, %masked_cumsum3A : vector<16xi32>
      %sub3A = arith.constant 1 : i32
      %sub3A_118 = vector.broadcast %sub3A : i32 to vector<16xi32>
      %sub3A_119 = arith.subi %add3A_117, %sub3A_118 : vector<16xi32>
      %jit3A_120 = arith.constant 16384 : i32
      %broadcast_in_dim3A_121 = vector.broadcast %jit3A_120 : i32 to vector<16xi32>
      %select_n3A_122 = arith.select %or3A, %sub3A_119, %broadcast_in_dim3A_121 : vector<16xi1>, vector<16xi32>
      tpu.vector_store_idx %arg7[%select_n3A_122], %add3A_105 : memref<16400xi32, #tpu.memory_space<vmem>>[vector<16xi32>], vector<16xi32>,
      %slice3A = vector.extract_strided_slice %masked_cumsum3A {offsets = [15], sizes = [1], strides = [1]} : vector<16xi32> to vector<1xi32>
      %squeeze3A = vector.extract %slice3A[0] : i32 from vector<1xi32>
      %add3A_123 = arith.addi %scan3A_98, %squeeze3A : i32
      scf.yield %add3A_123 : i32
    }
    %scan3A_49 = arith.constant 1024 : i32
    %scan3A_50 = arith.constant 0 : i32
    %scan3A_51 = arith.constant 0 : i32
    %scan3A_52 = arith.constant 126 : i32
    %scan3A_53 = arith.addi %scan3A_51, %scan3A_52 : i32
    %scan3A_54 = arith.constant 1 : i32
    scf.for %scan3A_97 = %scan3A_51 to %scan3A_53 step %scan3A_54  : i32 {
      %swap3A = arith.constant 0 : i32
      %swap3A_98 = arith.index_cast %scan3A_97 : i32 to index
      %swap3A_99 = memref.load %arg15[%swap3A_98] : memref<126xi32, #tpu.memory_space<smem>>
      memref.store %swap3A, %arg15[%swap3A_98] : memref<126xi32, #tpu.memory_space<smem>>
    }
    %scan3A_55 = arith.constant 126 : i32
    %while3A = arith.constant 0 : i32
    %while3A_56 = arith.constant 0 : i32
    %while3A_57 = arith.subi %scan3A_48, %while3A_56 : i32
    %while3A_58 = arith.addi %while3A_56, %while3A_57 : i32
    %while3A_59 = arith.constant 1 : i32
    %while3A_60 = arith.divsi %while3A_57, %while3A_59 : i32
    %while3A_61 = arith.muli %while3A_60, %while3A_59 : i32
    %while3A_62 = arith.addi %while3A_56, %while3A_61 : i32
    %while3A_63 = arith.constant 1 : i32
    scf.for %while3A_97 = %while3A_56 to %while3A_62 step %while3A_63  : i32 {
      %get3A = arith.index_cast %while3A_97 : i32 to index
      %get3A_98 = tpu.vector_load %arg7[%get3A] {strides = array<i32>} : memref<16400xi32, #tpu.memory_space<vmem>>, vector<16xi32>,
      %slice3A = vector.extract_strided_slice %get3A_98 {offsets = [0], sizes = [1], strides = [1]} : vector<16xi32> to vector<1xi32>
      %squeeze3A = vector.extract %slice3A[0] : i32 from vector<1xi32>
      %get3A_99 = arith.index_cast %squeeze3A : i32 to index
      %get3A_100 = tpu.vector_load %arg6[%get3A_99] {strides = array<i32>} : memref<16400xi32, #tpu.memory_space<vmem>>, vector<16xi32>,
      %slice3A_101 = vector.extract_strided_slice %get3A_100 {offsets = [0], sizes = [1], strides = [1]} : vector<16xi32> to vector<1xi32>
      %squeeze3A_102 = vector.extract %slice3A_101[0] : i32 from vector<1xi32>
      %sub3A = arith.subi %squeeze3A_102, %mul3A_2 : i32
      %shift_right_logical3A = arith.constant 8 : i32
      %shift_right_logical3A_103 = arith.shrui %sub3A, %shift_right_logical3A : i32
      %get3A_104 = arith.index_cast %shift_right_logical3A_103 : i32 to index
      %get3A_105 = memref.load %arg15[%get3A_104] : memref<126xi32, #tpu.memory_space<smem>>
      %add3A_106 = arith.constant 1 : i32
      %add3A_107 = arith.addi %get3A_105, %add3A_106 : i32
      %swap3A = arith.index_cast %shift_right_logical3A_103 : i32 to index
      %swap3A_108 = memref.load %arg15[%swap3A] : memref<126xi32, #tpu.memory_space<smem>>
      memref.store %add3A_107, %arg15[%swap3A] : memref<126xi32, #tpu.memory_space<smem>>
    }
    %while3A_64 = arith.constant 1 : i32
    scf.for %while3A_97 = %while3A_62 to %while3A_58 step %while3A_64  : i32 {
      %get3A = arith.index_cast %while3A_97 : i32 to index
      %get3A_98 = tpu.vector_load %arg7[%get3A] {strides = array<i32>} : memref<16400xi32, #tpu.memory_space<vmem>>, vector<16xi32>,
      %slice3A = vector.extract_strided_slice %get3A_98 {offsets = [0], sizes = [1], strides = [1]} : vector<16xi32> to vector<1xi32>
      %squeeze3A = vector.extract %slice3A[0] : i32 from vector<1xi32>
      %get3A_99 = arith.index_cast %squeeze3A : i32 to index
      %get3A_100 = tpu.vector_load %arg6[%get3A_99] {strides = array<i32>} : memref<16400xi32, #tpu.memory_space<vmem>>, vector<16xi32>,
      %slice3A_101 = vector.extract_strided_slice %get3A_100 {offsets = [0], sizes = [1], strides = [1]} : vector<16xi32> to vector<1xi32>
      %squeeze3A_102 = vector.extract %slice3A_101[0] : i32 from vector<1xi32>
      %sub3A = arith.subi %squeeze3A_102, %mul3A_2 : i32
      %shift_right_logical3A = arith.constant 8 : i32
      %shift_right_logical3A_103 = arith.shrui %sub3A, %shift_right_logical3A : i32
      %get3A_104 = arith.index_cast %shift_right_logical3A_103 : i32 to index
      %get3A_105 = memref.load %arg15[%get3A_104] : memref<126xi32, #tpu.memory_space<smem>>
      %add3A_106 = arith.constant 1 : i32
      %add3A_107 = arith.addi %get3A_105, %add3A_106 : i32
      %swap3A = arith.index_cast %shift_right_logical3A_103 : i32 to index
      %swap3A_108 = memref.load %arg15[%swap3A] : memref<126xi32, #tpu.memory_space<smem>>
      memref.store %add3A_107, %arg15[%swap3A] : memref<126xi32, #tpu.memory_space<smem>>
    }
    %scan3A_65 = arith.constant 0 : i32
    %scan3A_66 = arith.constant 0 : i32
    %scan3A_67 = arith.constant 126 : i32
    %scan3A_68 = arith.addi %scan3A_66, %scan3A_67 : i32
    %scan3A_69 = arith.constant 1 : i32
    %scan3A_70 = scf.for %scan3A_97 = %scan3A_66 to %scan3A_68 step %scan3A_69 iter_args(%scan3A_98 = %scan3A_65) -> (i32)  : i32 {
      %swap3A = arith.index_cast %scan3A_97 : i32 to index
      %swap3A_99 = memref.load %arg16[%swap3A] : memref<126xi32, #tpu.memory_space<smem>>
      memref.store %scan3A_98, %arg16[%swap3A] : memref<126xi32, #tpu.memory_space<smem>>
      %get3A = arith.index_cast %scan3A_97 : i32 to index
      %get3A_100 = memref.load %arg15[%get3A] : memref<126xi32, #tpu.memory_space<smem>>
      %add3A_101 = arith.addi %scan3A_98, %get3A_100 : i32
      %swap3A_102 = arith.index_cast %scan3A_97 : i32 to index
      %swap3A_103 = memref.load %arg15[%swap3A_102] : memref<126xi32, #tpu.memory_space<smem>>
      memref.store %scan3A_98, %arg15[%swap3A_102] : memref<126xi32, #tpu.memory_space<smem>>
      scf.yield %add3A_101 : i32
    }
    %scan3A_71 = arith.constant 126 : i32
    %while3A_72 = arith.constant 0 : i32
    %while3A_73 = arith.constant 0 : i32
    %while3A_74 = arith.subi %scan3A_48, %while3A_73 : i32
    %while3A_75 = arith.addi %while3A_73, %while3A_74 : i32
    %while3A_76 = arith.constant 1 : i32
    %while3A_77 = arith.divsi %while3A_74, %while3A_76 : i32
    %while3A_78 = arith.muli %while3A_77, %while3A_76 : i32
    %while3A_79 = arith.addi %while3A_73, %while3A_78 : i32
    %while3A_80 = arith.constant 1 : i32
    scf.for %while3A_97 = %while3A_73 to %while3A_79 step %while3A_80  : i32 {
      %get3A = arith.index_cast %while3A_97 : i32 to index
      %get3A_98 = tpu.vector_load %arg7[%get3A] {strides = array<i32>} : memref<16400xi32, #tpu.memory_space<vmem>>, vector<16xi32>,
      %slice3A = vector.extract_strided_slice %get3A_98 {offsets = [0], sizes = [1], strides = [1]} : vector<16xi32> to vector<1xi32>
      %squeeze3A = vector.extract %slice3A[0] : i32 from vector<1xi32>
      %get3A_99 = arith.index_cast %squeeze3A : i32 to index
      %get3A_100 = tpu.vector_load %arg6[%get3A_99] {strides = array<i32>} : memref<16400xi32, #tpu.memory_space<vmem>>, vector<16xi32>,
      %slice3A_101 = vector.extract_strided_slice %get3A_100 {offsets = [0], sizes = [1], strides = [1]} : vector<16xi32> to vector<1xi32>
      %squeeze3A_102 = vector.extract %slice3A_101[0] : i32 from vector<1xi32>
      %sub3A = arith.subi %squeeze3A_102, %mul3A_2 : i32
      %shift_right_logical3A = arith.constant 8 : i32
      %shift_right_logical3A_103 = arith.shrui %sub3A, %shift_right_logical3A : i32
      %get3A_104 = arith.index_cast %shift_right_logical3A_103 : i32 to index
      %get3A_105 = memref.load %arg15[%get3A_104] : memref<126xi32, #tpu.memory_space<smem>>
      %add3A_106 = arith.constant 1 : i32
      %add3A_107 = arith.addi %get3A_105, %add3A_106 : i32
      %swap3A = arith.index_cast %shift_right_logical3A_103 : i32 to index
      %swap3A_108 = memref.load %arg15[%swap3A] : memref<126xi32, #tpu.memory_space<smem>>
      memref.store %add3A_107, %arg15[%swap3A] : memref<126xi32, #tpu.memory_space<smem>>
      %eq3A_109 = arith.constant 0 : i32
      %eq3A_110 = vector.broadcast %eq3A_109 : i32 to vector<16xi32>
      %eq3A_111 = arith.cmpi eq, %iota3A, %eq3A_110 : vector<16xi32>
      %jit3A_112 = arith.constant 16384 : i32
      %broadcast_in_dim3A = vector.broadcast %get3A_105 : i32 to vector<16xi32>
      %broadcast_in_dim3A_113 = vector.broadcast %jit3A_112 : i32 to vector<16xi32>
      %select_n3A_114 = arith.select %eq3A_111, %broadcast_in_dim3A, %broadcast_in_dim3A_113 : vector<16xi1>, vector<16xi32>
      %broadcast_in_dim3A_115 = vector.broadcast %squeeze3A : i32 to vector<16xi32>
      tpu.vector_store_idx %arg8[%select_n3A_114], %broadcast_in_dim3A_115 : memref<16400xi32, #tpu.memory_space<vmem>>[vector<16xi32>], vector<16xi32>,
    }
    %while3A_81 = arith.constant 1 : i32
    scf.for %while3A_97 = %while3A_79 to %while3A_75 step %while3A_81  : i32 {
      %get3A = arith.index_cast %while3A_97 : i32 to index
      %get3A_98 = tpu.vector_load %arg7[%get3A] {strides = array<i32>} : memref<16400xi32, #tpu.memory_space<vmem>>, vector<16xi32>,
      %slice3A = vector.extract_strided_slice %get3A_98 {offsets = [0], sizes = [1], strides = [1]} : vector<16xi32> to vector<1xi32>
      %squeeze3A = vector.extract %slice3A[0] : i32 from vector<1xi32>
      %get3A_99 = arith.index_cast %squeeze3A : i32 to index
      %get3A_100 = tpu.vector_load %arg6[%get3A_99] {strides = array<i32>} : memref<16400xi32, #tpu.memory_space<vmem>>, vector<16xi32>,
      %slice3A_101 = vector.extract_strided_slice %get3A_100 {offsets = [0], sizes = [1], strides = [1]} : vector<16xi32> to vector<1xi32>
      %squeeze3A_102 = vector.extract %slice3A_101[0] : i32 from vector<1xi32>
      %sub3A = arith.subi %squeeze3A_102, %mul3A_2 : i32
      %shift_right_logical3A = arith.constant 8 : i32
      %shift_right_logical3A_103 = arith.shrui %sub3A, %shift_right_logical3A : i32
      %get3A_104 = arith.index_cast %shift_right_logical3A_103 : i32 to index
      %get3A_105 = memref.load %arg15[%get3A_104] : memref<126xi32, #tpu.memory_space<smem>>
      %add3A_106 = arith.constant 1 : i32
      %add3A_107 = arith.addi %get3A_105, %add3A_106 : i32
      %swap3A = arith.index_cast %shift_right_logical3A_103 : i32 to index
      %swap3A_108 = memref.load %arg15[%swap3A] : memref<126xi32, #tpu.memory_space<smem>>
      memref.store %add3A_107, %arg15[%swap3A] : memref<126xi32, #tpu.memory_space<smem>>
      %eq3A_109 = arith.constant 0 : i32
      %eq3A_110 = vector.broadcast %eq3A_109 : i32 to vector<16xi32>
      %eq3A_111 = arith.cmpi eq, %iota3A, %eq3A_110 : vector<16xi32>
      %jit3A_112 = arith.constant 16384 : i32
      %broadcast_in_dim3A = vector.broadcast %get3A_105 : i32 to vector<16xi32>
      %broadcast_in_dim3A_113 = vector.broadcast %jit3A_112 : i32 to vector<16xi32>
      %select_n3A_114 = arith.select %eq3A_111, %broadcast_in_dim3A, %broadcast_in_dim3A_113 : vector<16xi1>, vector<16xi32>
      %broadcast_in_dim3A_115 = vector.broadcast %squeeze3A : i32 to vector<16xi32>
      tpu.vector_store_idx %arg8[%select_n3A_114], %broadcast_in_dim3A_115 : memref<16400xi32, #tpu.memory_space<vmem>>[vector<16xi32>], vector<16xi32>,
    }
    %scan3A_82 = arith.constant 0 : i32
    %scan3A_83 = arith.constant 0 : i32
    %scan3A_84 = arith.constant 31 : i32
    %scan3A_85 = arith.addi %scan3A_83, %scan3A_84 : i32
    %scan3A_86 = arith.constant 1 : i32
    %scan3A_87 = scf.for %scan3A_97 = %scan3A_83 to %scan3A_85 step %scan3A_86 iter_args(%scan3A_98 = %scan3A_82) -> (i32)  : i32 {
      %mul3A_99 = arith.constant 4 : i32
      %mul3A_100 = arith.muli %mul3A_99, %scan3A_97 : i32
      %add3A_101 = arith.constant 0 : i32
      %add3A_102 = arith.addi %mul3A_100, %add3A_101 : i32
      %lt3A = arith.cmpi slt, %add3A_102, %add3A_6 : i32
      %convert_element_type3A_103 = arith.extui %lt3A : i1 to i32
      %cond3A_104 = arith.constant 0 : i32
      %cond3A_105 = arith.cmpi ne, %convert_element_type3A_103, %cond3A_104 : i32
      %cond3A_106 = scf.if %cond3A_105 -> (i32) {
        %mul3A_134 = arith.constant 256 : i32
        %mul3A_135 = arith.muli %add3A_102, %mul3A_134 : i32
        %add3A_136 = arith.addi %mul3A_2, %mul3A_135 : i32
        %dma_wait3A = arith.constant 0 : i32
        %dma_wait3A_137 = arith.constant 0 : i32
        %dma_wait3A_138 = tpu.memref_slice %arg3[%dma_wait3A, %dma_wait3A_137] : memref<64x1000000xf32, #tpu.memory_space<hbm>> -> memref<64x256xf32, #tpu.memory_space<hbm>>
        %dma_wait3A_139 = arith.constant 0 : i32
        %dma_wait3A_140 = arith.constant 0 : i32
        %dma_wait3A_141 = tpu.memref_slice %arg3[%dma_wait3A_139, %dma_wait3A_140] : memref<64x1000000xf32, #tpu.memory_space<hbm>> -> memref<64x256xf32, #tpu.memory_space<hbm>>
        tpu.wait_dma2 semaphore(%arg17 : memref<!tpu.dma_semaphore, #tpu.memory_space<semaphore_mem>>) src(%dma_wait3A_141 : memref<64x256xf32, #tpu.memory_space<hbm>>) dst(%arg9 : memref<64x256xf32, #tpu.memory_space<vmem>>)
        %add3A_142 = arith.constant 4 : i32
        %add3A_143 = arith.addi %add3A_102, %add3A_142 : i32
        %sub3A = arith.constant 1 : i32
        %sub3A_144 = arith.subi %add3A_143, %sub3A : i32
        %lt3A_145 = arith.cmpi slt, %sub3A_144, %add3A_6 : i32
        %convert_element_type3A_146 = arith.extui %lt3A_145 : i1 to i32
        %cond3A_147 = arith.constant 0 : i32
        %cond3A_148 = arith.cmpi ne, %convert_element_type3A_146, %cond3A_147 : i32
        scf.if %cond3A_148 {
          %add3A_164 = arith.constant 4 : i32
          %add3A_165 = arith.addi %add3A_102, %add3A_164 : i32
          %sub3A_166 = arith.constant 1 : i32
          %sub3A_167 = arith.subi %add3A_165, %sub3A_166 : i32
          %mul3A_168 = arith.constant 256 : i32
          %mul3A_169 = arith.muli %sub3A_167, %mul3A_168 : i32
          %add3A_170 = arith.addi %mul3A_2, %mul3A_169 : i32
          %multiple_of3A_171 = tpu.assume_multiple %add3A_170, 256 : i32
          %dma_start3A_172 = arith.constant 0 : i32
          %dma_start3A_173 = tpu.memref_slice %arg3[%dma_start3A_172, %multiple_of3A_171] : memref<64x1000000xf32, #tpu.memory_space<hbm>> -> memref<64x256xf32, #tpu.memory_space<hbm>>
          %dma_start3A_174 = arith.constant 0 : i32
          %dma_start3A_175 = tpu.memref_slice %arg3[%dma_start3A_174, %multiple_of3A_171] : memref<64x1000000xf32, #tpu.memory_space<hbm>> -> memref<64x256xf32, #tpu.memory_space<hbm>>
          tpu.enqueue_dma source(%dma_start3A_175 : memref<64x256xf32, #tpu.memory_space<hbm>>) target(%arg12 : memref<64x256xf32, #tpu.memory_space<vmem>>) target_semaphore(%arg20 : memref<!tpu.dma_semaphore, #tpu.memory_space<semaphore_mem>>)
        } else {
        }
        %get3A = arith.index_cast %add3A_102 : i32 to index
        %get3A_149 = memref.load %arg16[%get3A] : memref<126xi32, #tpu.memory_space<smem>>
        %add3A_150 = arith.constant 1 : i32
        %add3A_151 = arith.addi %add3A_102, %add3A_150 : i32
        %get3A_152 = arith.index_cast %add3A_151 : i32 to index
        %get3A_153 = memref.load %arg16[%get3A_152] : memref<126xi32, #tpu.memory_space<smem>>
        %while3A_154 = arith.subi %get3A_153, %get3A_149 : i32
        %while3A_155 = arith.addi %get3A_149, %while3A_154 : i32
        %while3A_156 = arith.constant 1 : i32
        %while3A_157 = arith.divsi %while3A_154, %while3A_156 : i32
        %while3A_158 = arith.muli %while3A_157, %while3A_156 : i32
        %while3A_159 = arith.addi %get3A_149, %while3A_158 : i32
        %while3A_160 = arith.constant 1 : i32
        %while3A_161 = scf.for %while3A_164 = %get3A_149 to %while3A_159 step %while3A_160 iter_args(%while3A_165 = %scan3A_98) -> (i32)  : i32 {
          %get3A_166 = arith.index_cast %while3A_164 : i32 to index
          %get3A_167 = tpu.vector_load %arg8[%get3A_166] {strides = array<i32>} : memref<16400xi32, #tpu.memory_space<vmem>>, vector<16xi32>,
          %slice3A = vector.extract_strided_slice %get3A_167 {offsets = [0], sizes = [1], strides = [1]} : vector<16xi32> to vector<1xi32>
          %squeeze3A = vector.extract %slice3A[0] : i32 from vector<1xi32>
          %get3A_168 = arith.index_cast %squeeze3A : i32 to index
          %get3A_169 = tpu.vector_load %arg6[%get3A_168] {strides = array<i32>} : memref<16400xi32, #tpu.memory_space<vmem>>, vector<16xi32>,
          %slice3A_170 = vector.extract_strided_slice %get3A_169 {offsets = [0], sizes = [1], strides = [1]} : vector<16xi32> to vector<1xi32>
          %squeeze3A_171 = vector.extract %slice3A_170[0] : i32 from vector<1xi32>
          %and3A = arith.constant 15 : i32
          %and3A_172 = arith.andi %while3A_165, %and3A : i32
          %sub3A_173 = arith.subi %squeeze3A_171, %add3A_136 : i32
          %broadcast_in_dim3A = vector.broadcast %sub3A_173 : i32 to vector<16xi32>
          %gather3A = tpu.vector_load_idx %arg9[%add3A_34, %broadcast_in_dim3A] : memref<64x256xf32, #tpu.memory_space<vmem>>[vector<16xi32>, vector<16xi32>], vector<16xf32>,
          %swap3A = arith.index_cast %and3A_172 : i32 to index
          %swap3A_174 = arith.constant 0 : index
          %swap3A_175 = tpu.vector_load %arg13[%swap3A, %swap3A_174] {strides = array<i32>} : memref<16x64xf32, #tpu.memory_space<vmem>>, vector<16xf32>,
          tpu.vector_store %arg13[%swap3A, %swap3A_174], %gather3A {strides = array<i32>} : memref<16x64xf32, #tpu.memory_space<vmem>>, vector<16xf32>,
          %gather3A_176 = tpu.vector_load_idx %arg9[%add3A_37, %broadcast_in_dim3A] : memref<64x256xf32, #tpu.memory_space<vmem>>[vector<16xi32>, vector<16xi32>], vector<16xf32>,
          %swap3A_177 = arith.index_cast %and3A_172 : i32 to index
          %swap3A_178 = arith.constant 16 : index
          %swap3A_179 = tpu.vector_load %arg13[%swap3A_177, %swap3A_178] {strides = array<i32>} : memref<16x64xf32, #tpu.memory_space<vmem>>, vector<16xf32>,
          tpu.vector_store %arg13[%swap3A_177, %swap3A_178], %gather3A_176 {strides = array<i32>} : memref<16x64xf32, #tpu.memory_space<vmem>>, vector<16xf32>,
          %gather3A_180 = tpu.vector_load_idx %arg9[%add3A_40, %broadcast_in_dim3A] : memref<64x256xf32, #tpu.memory_space<vmem>>[vector<16xi32>, vector<16xi32>], vector<16xf32>,
          %swap3A_181 = arith.index_cast %and3A_172 : i32 to index
          %swap3A_182 = arith.constant 32 : index
          %swap3A_183 = tpu.vector_load %arg13[%swap3A_181, %swap3A_182] {strides = array<i32>} : memref<16x64xf32, #tpu.memory_space<vmem>>, vector<16xf32>,
          tpu.vector_store %arg13[%swap3A_181, %swap3A_182], %gather3A_180 {strides = array<i32>} : memref<16x64xf32, #tpu.memory_space<vmem>>, vector<16xf32>,
          %gather3A_184 = tpu.vector_load_idx %arg9[%add3A_43, %broadcast_in_dim3A] : memref<64x256xf32, #tpu.memory_space<vmem>>[vector<16xi32>, vector<16xi32>], vector<16xf32>,
          %swap3A_185 = arith.index_cast %and3A_172 : i32 to index
          %swap3A_186 = arith.constant 48 : index
          %swap3A_187 = tpu.vector_load %arg13[%swap3A_185, %swap3A_186] {strides = array<i32>} : memref<16x64xf32, #tpu.memory_space<vmem>>, vector<16xf32>,
          tpu.vector_store %arg13[%swap3A_185, %swap3A_186], %gather3A_184 {strides = array<i32>} : memref<16x64xf32, #tpu.memory_space<vmem>>, vector<16xf32>,
          %dma_start3A_188 = arith.constant 0 : i32
          %dma_start3A_189 = tpu.memref_slice %arg13[%and3A_172, %dma_start3A_188] : memref<16x64xf32, #tpu.memory_space<vmem>> -> memref<1x64xf32, #tpu.memory_space<vmem>>
          %dma_start3A_190 = arith.constant 0 : i32
          %dma_start3A_191 = tpu.memref_slice %arg5[%squeeze3A, %dma_start3A_190] : memref<16384x64xf32, #tpu.memory_space<hbm>> -> memref<1x64xf32, #tpu.memory_space<hbm>>
          %dma_start3A_192 = arith.constant 0 : i32
          %dma_start3A_193 = tpu.memref_slice %arg5[%squeeze3A, %dma_start3A_192] : memref<16384x64xf32, #tpu.memory_space<hbm>> -> memref<1x64xf32, #tpu.memory_space<hbm>>
          %dma_start3A_194 = arith.constant 0 : i32
          %dma_start3A_195 = tpu.memref_slice %arg13[%and3A_172, %dma_start3A_194] : memref<16x64xf32, #tpu.memory_space<vmem>> -> memref<1x64xf32, #tpu.memory_space<vmem>>
          tpu.enqueue_dma source(%dma_start3A_195 : memref<1x64xf32, #tpu.memory_space<vmem>>) target(%dma_start3A_193 : memref<1x64xf32, #tpu.memory_space<hbm>>) target_semaphore(%arg21 : memref<!tpu.dma_semaphore, #tpu.memory_space<semaphore_mem>>)
          %ge3A = arith.constant 15 : i32
          %ge3A_196 = arith.cmpi sge, %while3A_165, %ge3A : i32
          %convert_element_type3A_197 = arith.extui %ge3A_196 : i1 to i32
          %cond3A_198 = arith.constant 0 : i32
          %cond3A_199 = arith.cmpi ne, %convert_element_type3A_197, %cond3A_198 : i32
          scf.if %cond3A_199 {
            %dma_wait3A_202 = arith.constant 0 : i32
            %dma_wait3A_203 = arith.constant 0 : i32
            %dma_wait3A_204 = tpu.memref_slice %arg13[%dma_wait3A_202, %dma_wait3A_203] : memref<16x64xf32, #tpu.memory_space<vmem>> -> memref<1x64xf32, #tpu.memory_space<vmem>>
            %dma_wait3A_205 = arith.constant 0 : i32
            %dma_wait3A_206 = arith.constant 0 : i32
            %dma_wait3A_207 = tpu.memref_slice %arg5[%dma_wait3A_205, %dma_wait3A_206] : memref<16384x64xf32, #tpu.memory_space<hbm>> -> memref<1x64xf32, #tpu.memory_space<hbm>>
            %dma_wait3A_208 = arith.constant 0 : i32
            %dma_wait3A_209 = arith.constant 0 : i32
            %dma_wait3A_210 = tpu.memref_slice %arg13[%dma_wait3A_208, %dma_wait3A_209] : memref<16x64xf32, #tpu.memory_space<vmem>> -> memref<1x64xf32, #tpu.memory_space<vmem>>
            %dma_wait3A_211 = arith.constant 0 : i32
            %dma_wait3A_212 = arith.constant 0 : i32
            %dma_wait3A_213 = tpu.memref_slice %arg5[%dma_wait3A_211, %dma_wait3A_212] : memref<16384x64xf32, #tpu.memory_space<hbm>> -> memref<1x64xf32, #tpu.memory_space<hbm>>
            tpu.wait_dma2 semaphore(%arg21 : memref<!tpu.dma_semaphore, #tpu.memory_space<semaphore_mem>>) src(%dma_wait3A_213 : memref<1x64xf32, #tpu.memory_space<hbm>>) dst(%dma_wait3A_210 : memref<1x64xf32, #tpu.memory_space<vmem>>)
          } else {
          }
          %add3A_200 = arith.constant 1 : i32
          %add3A_201 = arith.addi %while3A_165, %add3A_200 : i32
          scf.yield %add3A_201 : i32
        }
        %while3A_162 = arith.constant 1 : i32
        %while3A_163 = scf.for %while3A_164 = %while3A_159 to %while3A_155 step %while3A_162 iter_args(%while3A_165 = %while3A_161) -> (i32)  : i32 {
          %get3A_166 = arith.index_cast %while3A_164 : i32 to index
          %get3A_167 = tpu.vector_load %arg8[%get3A_166] {strides = array<i32>} : memref<16400xi32, #tpu.memory_space<vmem>>, vector<16xi32>,
          %slice3A = vector.extract_strided_slice %get3A_167 {offsets = [0], sizes = [1], strides = [1]} : vector<16xi32> to vector<1xi32>
          %squeeze3A = vector.extract %slice3A[0] : i32 from vector<1xi32>
          %get3A_168 = arith.index_cast %squeeze3A : i32 to index
          %get3A_169 = tpu.vector_load %arg6[%get3A_168] {strides = array<i32>} : memref<16400xi32, #tpu.memory_space<vmem>>, vector<16xi32>,
          %slice3A_170 = vector.extract_strided_slice %get3A_169 {offsets = [0], sizes = [1], strides = [1]} : vector<16xi32> to vector<1xi32>
          %squeeze3A_171 = vector.extract %slice3A_170[0] : i32 from vector<1xi32>
          %and3A = arith.constant 15 : i32
          %and3A_172 = arith.andi %while3A_165, %and3A : i32
          %sub3A_173 = arith.subi %squeeze3A_171, %add3A_136 : i32
          %broadcast_in_dim3A = vector.broadcast %sub3A_173 : i32 to vector<16xi32>
          %gather3A = tpu.vector_load_idx %arg9[%add3A_34, %broadcast_in_dim3A] : memref<64x256xf32, #tpu.memory_space<vmem>>[vector<16xi32>, vector<16xi32>], vector<16xf32>,
          %swap3A = arith.index_cast %and3A_172 : i32 to index
          %swap3A_174 = arith.constant 0 : index
          %swap3A_175 = tpu.vector_load %arg13[%swap3A, %swap3A_174] {strides = array<i32>} : memref<16x64xf32, #tpu.memory_space<vmem>>, vector<16xf32>,
          tpu.vector_store %arg13[%swap3A, %swap3A_174], %gather3A {strides = array<i32>} : memref<16x64xf32, #tpu.memory_space<vmem>>, vector<16xf32>,
          %gather3A_176 = tpu.vector_load_idx %arg9[%add3A_37, %broadcast_in_dim3A] : memref<64x256xf32, #tpu.memory_space<vmem>>[vector<16xi32>, vector<16xi32>], vector<16xf32>,
          %swap3A_177 = arith.index_cast %and3A_172 : i32 to index
          %swap3A_178 = arith.constant 16 : index
          %swap3A_179 = tpu.vector_load %arg13[%swap3A_177, %swap3A_178] {strides = array<i32>} : memref<16x64xf32, #tpu.memory_space<vmem>>, vector<16xf32>,
          tpu.vector_store %arg13[%swap3A_177, %swap3A_178], %gather3A_176 {strides = array<i32>} : memref<16x64xf32, #tpu.memory_space<vmem>>, vector<16xf32>,
          %gather3A_180 = tpu.vector_load_idx %arg9[%add3A_40, %broadcast_in_dim3A] : memref<64x256xf32, #tpu.memory_space<vmem>>[vector<16xi32>, vector<16xi32>], vector<16xf32>,
          %swap3A_181 = arith.index_cast %and3A_172 : i32 to index
          %swap3A_182 = arith.constant 32 : index
          %swap3A_183 = tpu.vector_load %arg13[%swap3A_181, %swap3A_182] {strides = array<i32>} : memref<16x64xf32, #tpu.memory_space<vmem>>, vector<16xf32>,
          tpu.vector_store %arg13[%swap3A_181, %swap3A_182], %gather3A_180 {strides = array<i32>} : memref<16x64xf32, #tpu.memory_space<vmem>>, vector<16xf32>,
          %gather3A_184 = tpu.vector_load_idx %arg9[%add3A_43, %broadcast_in_dim3A] : memref<64x256xf32, #tpu.memory_space<vmem>>[vector<16xi32>, vector<16xi32>], vector<16xf32>,
          %swap3A_185 = arith.index_cast %and3A_172 : i32 to index
          %swap3A_186 = arith.constant 48 : index
          %swap3A_187 = tpu.vector_load %arg13[%swap3A_185, %swap3A_186] {strides = array<i32>} : memref<16x64xf32, #tpu.memory_space<vmem>>, vector<16xf32>,
          tpu.vector_store %arg13[%swap3A_185, %swap3A_186], %gather3A_184 {strides = array<i32>} : memref<16x64xf32, #tpu.memory_space<vmem>>, vector<16xf32>,
          %dma_start3A_188 = arith.constant 0 : i32
          %dma_start3A_189 = tpu.memref_slice %arg13[%and3A_172, %dma_start3A_188] : memref<16x64xf32, #tpu.memory_space<vmem>> -> memref<1x64xf32, #tpu.memory_space<vmem>>
          %dma_start3A_190 = arith.constant 0 : i32
          %dma_start3A_191 = tpu.memref_slice %arg5[%squeeze3A, %dma_start3A_190] : memref<16384x64xf32, #tpu.memory_space<hbm>> -> memref<1x64xf32, #tpu.memory_space<hbm>>
          %dma_start3A_192 = arith.constant 0 : i32
          %dma_start3A_193 = tpu.memref_slice %arg5[%squeeze3A, %dma_start3A_192] : memref<16384x64xf32, #tpu.memory_space<hbm>> -> memref<1x64xf32, #tpu.memory_space<hbm>>
          %dma_start3A_194 = arith.constant 0 : i32
          %dma_start3A_195 = tpu.memref_slice %arg13[%and3A_172, %dma_start3A_194] : memref<16x64xf32, #tpu.memory_space<vmem>> -> memref<1x64xf32, #tpu.memory_space<vmem>>
          tpu.enqueue_dma source(%dma_start3A_195 : memref<1x64xf32, #tpu.memory_space<vmem>>) target(%dma_start3A_193 : memref<1x64xf32, #tpu.memory_space<hbm>>) target_semaphore(%arg21 : memref<!tpu.dma_semaphore, #tpu.memory_space<semaphore_mem>>)
          %ge3A = arith.constant 15 : i32
          %ge3A_196 = arith.cmpi sge, %while3A_165, %ge3A : i32
          %convert_element_type3A_197 = arith.extui %ge3A_196 : i1 to i32
          %cond3A_198 = arith.constant 0 : i32
          %cond3A_199 = arith.cmpi ne, %convert_element_type3A_197, %cond3A_198 : i32
          scf.if %cond3A_199 {
            %dma_wait3A_202 = arith.constant 0 : i32
            %dma_wait3A_203 = arith.constant 0 : i32
            %dma_wait3A_204 = tpu.memref_slice %arg13[%dma_wait3A_202, %dma_wait3A_203] : memref<16x64xf32, #tpu.memory_space<vmem>> -> memref<1x64xf32, #tpu.memory_space<vmem>>
            %dma_wait3A_205 = arith.constant 0 : i32
            %dma_wait3A_206 = arith.constant 0 : i32
            %dma_wait3A_207 = tpu.memref_slice %arg5[%dma_wait3A_205, %dma_wait3A_206] : memref<16384x64xf32, #tpu.memory_space<hbm>> -> memref<1x64xf32, #tpu.memory_space<hbm>>
            %dma_wait3A_208 = arith.constant 0 : i32
            %dma_wait3A_209 = arith.constant 0 : i32
            %dma_wait3A_210 = tpu.memref_slice %arg13[%dma_wait3A_208, %dma_wait3A_209] : memref<16x64xf32, #tpu.memory_space<vmem>> -> memref<1x64xf32, #tpu.memory_space<vmem>>
            %dma_wait3A_211 = arith.constant 0 : i32
            %dma_wait3A_212 = arith.constant 0 : i32
            %dma_wait3A_213 = tpu.memref_slice %arg5[%dma_wait3A_211, %dma_wait3A_212] : memref<16384x64xf32, #tpu.memory_space<hbm>> -> memref<1x64xf32, #tpu.memory_space<hbm>>
            tpu.wait_dma2 semaphore(%arg21 : memref<!tpu.dma_semaphore, #tpu.memory_space<semaphore_mem>>) src(%dma_wait3A_213 : memref<1x64xf32, #tpu.memory_space<hbm>>) dst(%dma_wait3A_210 : memref<1x64xf32, #tpu.memory_space<vmem>>)
          } else {
          }
          %add3A_200 = arith.constant 1 : i32
          %add3A_201 = arith.addi %while3A_165, %add3A_200 : i32
          scf.yield %add3A_201 : i32
        }
        scf.yield %while3A_163 : i32
      } else {
        scf.yield %scan3A_98 : i32
      }
      %mul3A_107 = arith.constant 4 : i32
      %mul3A_108 = arith.muli %mul3A_107, %scan3A_97 : i32
      %add3A_109 = arith.constant 1 : i32
      %add3A_110 = arith.addi %mul3A_108, %add3A_109 : i32
      %lt3A_111 = arith.cmpi slt, %add3A_110, %add3A_6 : i32
      %convert_element_type3A_112 = arith.extui %lt3A_111 : i1 to i32
      %cond3A_113 = arith.constant 0 : i32
      %cond3A_114 = arith.cmpi ne, %convert_element_type3A_112, %cond3A_113 : i32
      %cond3A_115 = scf.if %cond3A_114 -> (i32) {
        %mul3A_134 = arith.constant 256 : i32
        %mul3A_135 = arith.muli %add3A_110, %mul3A_134 : i32
        %add3A_136 = arith.addi %mul3A_2, %mul3A_135 : i32
        %dma_wait3A = arith.constant 0 : i32
        %dma_wait3A_137 = arith.constant 0 : i32
        %dma_wait3A_138 = tpu.memref_slice %arg3[%dma_wait3A, %dma_wait3A_137] : memref<64x1000000xf32, #tpu.memory_space<hbm>> -> memref<64x256xf32, #tpu.memory_space<hbm>>
        %dma_wait3A_139 = arith.constant 0 : i32
        %dma_wait3A_140 = arith.constant 0 : i32
        %dma_wait3A_141 = tpu.memref_slice %arg3[%dma_wait3A_139, %dma_wait3A_140] : memref<64x1000000xf32, #tpu.memory_space<hbm>> -> memref<64x256xf32, #tpu.memory_space<hbm>>
        tpu.wait_dma2 semaphore(%arg18 : memref<!tpu.dma_semaphore, #tpu.memory_space<semaphore_mem>>) src(%dma_wait3A_141 : memref<64x256xf32, #tpu.memory_space<hbm>>) dst(%arg10 : memref<64x256xf32, #tpu.memory_space<vmem>>)
        %add3A_142 = arith.constant 4 : i32
        %add3A_143 = arith.addi %add3A_110, %add3A_142 : i32
        %sub3A = arith.constant 1 : i32
        %sub3A_144 = arith.subi %add3A_143, %sub3A : i32
        %lt3A_145 = arith.cmpi slt, %sub3A_144, %add3A_6 : i32
        %convert_element_type3A_146 = arith.extui %lt3A_145 : i1 to i32
        %cond3A_147 = arith.constant 0 : i32
        %cond3A_148 = arith.cmpi ne, %convert_element_type3A_146, %cond3A_147 : i32
        scf.if %cond3A_148 {
          %add3A_164 = arith.constant 4 : i32
          %add3A_165 = arith.addi %add3A_110, %add3A_164 : i32
          %sub3A_166 = arith.constant 1 : i32
          %sub3A_167 = arith.subi %add3A_165, %sub3A_166 : i32
          %mul3A_168 = arith.constant 256 : i32
          %mul3A_169 = arith.muli %sub3A_167, %mul3A_168 : i32
          %add3A_170 = arith.addi %mul3A_2, %mul3A_169 : i32
          %multiple_of3A_171 = tpu.assume_multiple %add3A_170, 256 : i32
          %dma_start3A_172 = arith.constant 0 : i32
          %dma_start3A_173 = tpu.memref_slice %arg3[%dma_start3A_172, %multiple_of3A_171] : memref<64x1000000xf32, #tpu.memory_space<hbm>> -> memref<64x256xf32, #tpu.memory_space<hbm>>
          %dma_start3A_174 = arith.constant 0 : i32
          %dma_start3A_175 = tpu.memref_slice %arg3[%dma_start3A_174, %multiple_of3A_171] : memref<64x1000000xf32, #tpu.memory_space<hbm>> -> memref<64x256xf32, #tpu.memory_space<hbm>>
          tpu.enqueue_dma source(%dma_start3A_175 : memref<64x256xf32, #tpu.memory_space<hbm>>) target(%arg9 : memref<64x256xf32, #tpu.memory_space<vmem>>) target_semaphore(%arg17 : memref<!tpu.dma_semaphore, #tpu.memory_space<semaphore_mem>>)
        } else {
        }
        %get3A = arith.index_cast %add3A_110 : i32 to index
        %get3A_149 = memref.load %arg16[%get3A] : memref<126xi32, #tpu.memory_space<smem>>
        %add3A_150 = arith.constant 1 : i32
        %add3A_151 = arith.addi %add3A_110, %add3A_150 : i32
        %get3A_152 = arith.index_cast %add3A_151 : i32 to index
        %get3A_153 = memref.load %arg16[%get3A_152] : memref<126xi32, #tpu.memory_space<smem>>
        %while3A_154 = arith.subi %get3A_153, %get3A_149 : i32
        %while3A_155 = arith.addi %get3A_149, %while3A_154 : i32
        %while3A_156 = arith.constant 1 : i32
        %while3A_157 = arith.divsi %while3A_154, %while3A_156 : i32
        %while3A_158 = arith.muli %while3A_157, %while3A_156 : i32
        %while3A_159 = arith.addi %get3A_149, %while3A_158 : i32
        %while3A_160 = arith.constant 1 : i32
        %while3A_161 = scf.for %while3A_164 = %get3A_149 to %while3A_159 step %while3A_160 iter_args(%while3A_165 = %cond3A_106) -> (i32)  : i32 {
          %get3A_166 = arith.index_cast %while3A_164 : i32 to index
          %get3A_167 = tpu.vector_load %arg8[%get3A_166] {strides = array<i32>} : memref<16400xi32, #tpu.memory_space<vmem>>, vector<16xi32>,
          %slice3A = vector.extract_strided_slice %get3A_167 {offsets = [0], sizes = [1], strides = [1]} : vector<16xi32> to vector<1xi32>
          %squeeze3A = vector.extract %slice3A[0] : i32 from vector<1xi32>
          %get3A_168 = arith.index_cast %squeeze3A : i32 to index
          %get3A_169 = tpu.vector_load %arg6[%get3A_168] {strides = array<i32>} : memref<16400xi32, #tpu.memory_space<vmem>>, vector<16xi32>,
          %slice3A_170 = vector.extract_strided_slice %get3A_169 {offsets = [0], sizes = [1], strides = [1]} : vector<16xi32> to vector<1xi32>
          %squeeze3A_171 = vector.extract %slice3A_170[0] : i32 from vector<1xi32>
          %and3A = arith.constant 15 : i32
          %and3A_172 = arith.andi %while3A_165, %and3A : i32
          %sub3A_173 = arith.subi %squeeze3A_171, %add3A_136 : i32
          %broadcast_in_dim3A = vector.broadcast %sub3A_173 : i32 to vector<16xi32>
          %gather3A = tpu.vector_load_idx %arg10[%add3A_34, %broadcast_in_dim3A] : memref<64x256xf32, #tpu.memory_space<vmem>>[vector<16xi32>, vector<16xi32>], vector<16xf32>,
          %swap3A = arith.index_cast %and3A_172 : i32 to index
          %swap3A_174 = arith.constant 0 : index
          %swap3A_175 = tpu.vector_load %arg13[%swap3A, %swap3A_174] {strides = array<i32>} : memref<16x64xf32, #tpu.memory_space<vmem>>, vector<16xf32>,
          tpu.vector_store %arg13[%swap3A, %swap3A_174], %gather3A {strides = array<i32>} : memref<16x64xf32, #tpu.memory_space<vmem>>, vector<16xf32>,
          %gather3A_176 = tpu.vector_load_idx %arg10[%add3A_37, %broadcast_in_dim3A] : memref<64x256xf32, #tpu.memory_space<vmem>>[vector<16xi32>, vector<16xi32>], vector<16xf32>,
          %swap3A_177 = arith.index_cast %and3A_172 : i32 to index
          %swap3A_178 = arith.constant 16 : index
          %swap3A_179 = tpu.vector_load %arg13[%swap3A_177, %swap3A_178] {strides = array<i32>} : memref<16x64xf32, #tpu.memory_space<vmem>>, vector<16xf32>,
          tpu.vector_store %arg13[%swap3A_177, %swap3A_178], %gather3A_176 {strides = array<i32>} : memref<16x64xf32, #tpu.memory_space<vmem>>, vector<16xf32>,
          %gather3A_180 = tpu.vector_load_idx %arg10[%add3A_40, %broadcast_in_dim3A] : memref<64x256xf32, #tpu.memory_space<vmem>>[vector<16xi32>, vector<16xi32>], vector<16xf32>,
          %swap3A_181 = arith.index_cast %and3A_172 : i32 to index
          %swap3A_182 = arith.constant 32 : index
          %swap3A_183 = tpu.vector_load %arg13[%swap3A_181, %swap3A_182] {strides = array<i32>} : memref<16x64xf32, #tpu.memory_space<vmem>>, vector<16xf32>,
          tpu.vector_store %arg13[%swap3A_181, %swap3A_182], %gather3A_180 {strides = array<i32>} : memref<16x64xf32, #tpu.memory_space<vmem>>, vector<16xf32>,
          %gather3A_184 = tpu.vector_load_idx %arg10[%add3A_43, %broadcast_in_dim3A] : memref<64x256xf32, #tpu.memory_space<vmem>>[vector<16xi32>, vector<16xi32>], vector<16xf32>,
          %swap3A_185 = arith.index_cast %and3A_172 : i32 to index
          %swap3A_186 = arith.constant 48 : index
          %swap3A_187 = tpu.vector_load %arg13[%swap3A_185, %swap3A_186] {strides = array<i32>} : memref<16x64xf32, #tpu.memory_space<vmem>>, vector<16xf32>,
          tpu.vector_store %arg13[%swap3A_185, %swap3A_186], %gather3A_184 {strides = array<i32>} : memref<16x64xf32, #tpu.memory_space<vmem>>, vector<16xf32>,
          %dma_start3A_188 = arith.constant 0 : i32
          %dma_start3A_189 = tpu.memref_slice %arg13[%and3A_172, %dma_start3A_188] : memref<16x64xf32, #tpu.memory_space<vmem>> -> memref<1x64xf32, #tpu.memory_space<vmem>>
          %dma_start3A_190 = arith.constant 0 : i32
          %dma_start3A_191 = tpu.memref_slice %arg5[%squeeze3A, %dma_start3A_190] : memref<16384x64xf32, #tpu.memory_space<hbm>> -> memref<1x64xf32, #tpu.memory_space<hbm>>
          %dma_start3A_192 = arith.constant 0 : i32
          %dma_start3A_193 = tpu.memref_slice %arg5[%squeeze3A, %dma_start3A_192] : memref<16384x64xf32, #tpu.memory_space<hbm>> -> memref<1x64xf32, #tpu.memory_space<hbm>>
          %dma_start3A_194 = arith.constant 0 : i32
          %dma_start3A_195 = tpu.memref_slice %arg13[%and3A_172, %dma_start3A_194] : memref<16x64xf32, #tpu.memory_space<vmem>> -> memref<1x64xf32, #tpu.memory_space<vmem>>
          tpu.enqueue_dma source(%dma_start3A_195 : memref<1x64xf32, #tpu.memory_space<vmem>>) target(%dma_start3A_193 : memref<1x64xf32, #tpu.memory_space<hbm>>) target_semaphore(%arg21 : memref<!tpu.dma_semaphore, #tpu.memory_space<semaphore_mem>>)
          %ge3A = arith.constant 15 : i32
          %ge3A_196 = arith.cmpi sge, %while3A_165, %ge3A : i32
          %convert_element_type3A_197 = arith.extui %ge3A_196 : i1 to i32
          %cond3A_198 = arith.constant 0 : i32
          %cond3A_199 = arith.cmpi ne, %convert_element_type3A_197, %cond3A_198 : i32
          scf.if %cond3A_199 {
            %dma_wait3A_202 = arith.constant 0 : i32
            %dma_wait3A_203 = arith.constant 0 : i32
            %dma_wait3A_204 = tpu.memref_slice %arg13[%dma_wait3A_202, %dma_wait3A_203] : memref<16x64xf32, #tpu.memory_space<vmem>> -> memref<1x64xf32, #tpu.memory_space<vmem>>
            %dma_wait3A_205 = arith.constant 0 : i32
            %dma_wait3A_206 = arith.constant 0 : i32
            %dma_wait3A_207 = tpu.memref_slice %arg5[%dma_wait3A_205, %dma_wait3A_206] : memref<16384x64xf32, #tpu.memory_space<hbm>> -> memref<1x64xf32, #tpu.memory_space<hbm>>
            %dma_wait3A_208 = arith.constant 0 : i32
            %dma_wait3A_209 = arith.constant 0 : i32
            %dma_wait3A_210 = tpu.memref_slice %arg13[%dma_wait3A_208, %dma_wait3A_209] : memref<16x64xf32, #tpu.memory_space<vmem>> -> memref<1x64xf32, #tpu.memory_space<vmem>>
            %dma_wait3A_211 = arith.constant 0 : i32
            %dma_wait3A_212 = arith.constant 0 : i32
            %dma_wait3A_213 = tpu.memref_slice %arg5[%dma_wait3A_211, %dma_wait3A_212] : memref<16384x64xf32, #tpu.memory_space<hbm>> -> memref<1x64xf32, #tpu.memory_space<hbm>>
            tpu.wait_dma2 semaphore(%arg21 : memref<!tpu.dma_semaphore, #tpu.memory_space<semaphore_mem>>) src(%dma_wait3A_213 : memref<1x64xf32, #tpu.memory_space<hbm>>) dst(%dma_wait3A_210 : memref<1x64xf32, #tpu.memory_space<vmem>>)
          } else {
          }
          %add3A_200 = arith.constant 1 : i32
          %add3A_201 = arith.addi %while3A_165, %add3A_200 : i32
          scf.yield %add3A_201 : i32
        }
        %while3A_162 = arith.constant 1 : i32
        %while3A_163 = scf.for %while3A_164 = %while3A_159 to %while3A_155 step %while3A_162 iter_args(%while3A_165 = %while3A_161) -> (i32)  : i32 {
          %get3A_166 = arith.index_cast %while3A_164 : i32 to index
          %get3A_167 = tpu.vector_load %arg8[%get3A_166] {strides = array<i32>} : memref<16400xi32, #tpu.memory_space<vmem>>, vector<16xi32>,
          %slice3A = vector.extract_strided_slice %get3A_167 {offsets = [0], sizes = [1], strides = [1]} : vector<16xi32> to vector<1xi32>
          %squeeze3A = vector.extract %slice3A[0] : i32 from vector<1xi32>
          %get3A_168 = arith.index_cast %squeeze3A : i32 to index
          %get3A_169 = tpu.vector_load %arg6[%get3A_168] {strides = array<i32>} : memref<16400xi32, #tpu.memory_space<vmem>>, vector<16xi32>,
          %slice3A_170 = vector.extract_strided_slice %get3A_169 {offsets = [0], sizes = [1], strides = [1]} : vector<16xi32> to vector<1xi32>
          %squeeze3A_171 = vector.extract %slice3A_170[0] : i32 from vector<1xi32>
          %and3A = arith.constant 15 : i32
          %and3A_172 = arith.andi %while3A_165, %and3A : i32
          %sub3A_173 = arith.subi %squeeze3A_171, %add3A_136 : i32
          %broadcast_in_dim3A = vector.broadcast %sub3A_173 : i32 to vector<16xi32>
          %gather3A = tpu.vector_load_idx %arg10[%add3A_34, %broadcast_in_dim3A] : memref<64x256xf32, #tpu.memory_space<vmem>>[vector<16xi32>, vector<16xi32>], vector<16xf32>,
          %swap3A = arith.index_cast %and3A_172 : i32 to index
          %swap3A_174 = arith.constant 0 : index
          %swap3A_175 = tpu.vector_load %arg13[%swap3A, %swap3A_174] {strides = array<i32>} : memref<16x64xf32, #tpu.memory_space<vmem>>, vector<16xf32>,
          tpu.vector_store %arg13[%swap3A, %swap3A_174], %gather3A {strides = array<i32>} : memref<16x64xf32, #tpu.memory_space<vmem>>, vector<16xf32>,
          %gather3A_176 = tpu.vector_load_idx %arg10[%add3A_37, %broadcast_in_dim3A] : memref<64x256xf32, #tpu.memory_space<vmem>>[vector<16xi32>, vector<16xi32>], vector<16xf32>,
          %swap3A_177 = arith.index_cast %and3A_172 : i32 to index
          %swap3A_178 = arith.constant 16 : index
          %swap3A_179 = tpu.vector_load %arg13[%swap3A_177, %swap3A_178] {strides = array<i32>} : memref<16x64xf32, #tpu.memory_space<vmem>>, vector<16xf32>,
          tpu.vector_store %arg13[%swap3A_177, %swap3A_178], %gather3A_176 {strides = array<i32>} : memref<16x64xf32, #tpu.memory_space<vmem>>, vector<16xf32>,
          %gather3A_180 = tpu.vector_load_idx %arg10[%add3A_40, %broadcast_in_dim3A] : memref<64x256xf32, #tpu.memory_space<vmem>>[vector<16xi32>, vector<16xi32>], vector<16xf32>,
          %swap3A_181 = arith.index_cast %and3A_172 : i32 to index
          %swap3A_182 = arith.constant 32 : index
          %swap3A_183 = tpu.vector_load %arg13[%swap3A_181, %swap3A_182] {strides = array<i32>} : memref<16x64xf32, #tpu.memory_space<vmem>>, vector<16xf32>,
          tpu.vector_store %arg13[%swap3A_181, %swap3A_182], %gather3A_180 {strides = array<i32>} : memref<16x64xf32, #tpu.memory_space<vmem>>, vector<16xf32>,
          %gather3A_184 = tpu.vector_load_idx %arg10[%add3A_43, %broadcast_in_dim3A] : memref<64x256xf32, #tpu.memory_space<vmem>>[vector<16xi32>, vector<16xi32>], vector<16xf32>,
          %swap3A_185 = arith.index_cast %and3A_172 : i32 to index
          %swap3A_186 = arith.constant 48 : index
          %swap3A_187 = tpu.vector_load %arg13[%swap3A_185, %swap3A_186] {strides = array<i32>} : memref<16x64xf32, #tpu.memory_space<vmem>>, vector<16xf32>,
          tpu.vector_store %arg13[%swap3A_185, %swap3A_186], %gather3A_184 {strides = array<i32>} : memref<16x64xf32, #tpu.memory_space<vmem>>, vector<16xf32>,
          %dma_start3A_188 = arith.constant 0 : i32
          %dma_start3A_189 = tpu.memref_slice %arg13[%and3A_172, %dma_start3A_188] : memref<16x64xf32, #tpu.memory_space<vmem>> -> memref<1x64xf32, #tpu.memory_space<vmem>>
          %dma_start3A_190 = arith.constant 0 : i32
          %dma_start3A_191 = tpu.memref_slice %arg5[%squeeze3A, %dma_start3A_190] : memref<16384x64xf32, #tpu.memory_space<hbm>> -> memref<1x64xf32, #tpu.memory_space<hbm>>
          %dma_start3A_192 = arith.constant 0 : i32
          %dma_start3A_193 = tpu.memref_slice %arg5[%squeeze3A, %dma_start3A_192] : memref<16384x64xf32, #tpu.memory_space<hbm>> -> memref<1x64xf32, #tpu.memory_space<hbm>>
          %dma_start3A_194 = arith.constant 0 : i32
          %dma_start3A_195 = tpu.memref_slice %arg13[%and3A_172, %dma_start3A_194] : memref<16x64xf32, #tpu.memory_space<vmem>> -> memref<1x64xf32, #tpu.memory_space<vmem>>
          tpu.enqueue_dma source(%dma_start3A_195 : memref<1x64xf32, #tpu.memory_space<vmem>>) target(%dma_start3A_193 : memref<1x64xf32, #tpu.memory_space<hbm>>) target_semaphore(%arg21 : memref<!tpu.dma_semaphore, #tpu.memory_space<semaphore_mem>>)
          %ge3A = arith.constant 15 : i32
          %ge3A_196 = arith.cmpi sge, %while3A_165, %ge3A : i32
          %convert_element_type3A_197 = arith.extui %ge3A_196 : i1 to i32
          %cond3A_198 = arith.constant 0 : i32
          %cond3A_199 = arith.cmpi ne, %convert_element_type3A_197, %cond3A_198 : i32
          scf.if %cond3A_199 {
            %dma_wait3A_202 = arith.constant 0 : i32
            %dma_wait3A_203 = arith.constant 0 : i32
            %dma_wait3A_204 = tpu.memref_slice %arg13[%dma_wait3A_202, %dma_wait3A_203] : memref<16x64xf32, #tpu.memory_space<vmem>> -> memref<1x64xf32, #tpu.memory_space<vmem>>
            %dma_wait3A_205 = arith.constant 0 : i32
            %dma_wait3A_206 = arith.constant 0 : i32
            %dma_wait3A_207 = tpu.memref_slice %arg5[%dma_wait3A_205, %dma_wait3A_206] : memref<16384x64xf32, #tpu.memory_space<hbm>> -> memref<1x64xf32, #tpu.memory_space<hbm>>
            %dma_wait3A_208 = arith.constant 0 : i32
            %dma_wait3A_209 = arith.constant 0 : i32
            %dma_wait3A_210 = tpu.memref_slice %arg13[%dma_wait3A_208, %dma_wait3A_209] : memref<16x64xf32, #tpu.memory_space<vmem>> -> memref<1x64xf32, #tpu.memory_space<vmem>>
            %dma_wait3A_211 = arith.constant 0 : i32
            %dma_wait3A_212 = arith.constant 0 : i32
            %dma_wait3A_213 = tpu.memref_slice %arg5[%dma_wait3A_211, %dma_wait3A_212] : memref<16384x64xf32, #tpu.memory_space<hbm>> -> memref<1x64xf32, #tpu.memory_space<hbm>>
            tpu.wait_dma2 semaphore(%arg21 : memref<!tpu.dma_semaphore, #tpu.memory_space<semaphore_mem>>) src(%dma_wait3A_213 : memref<1x64xf32, #tpu.memory_space<hbm>>) dst(%dma_wait3A_210 : memref<1x64xf32, #tpu.memory_space<vmem>>)
          } else {
          }
          %add3A_200 = arith.constant 1 : i32
          %add3A_201 = arith.addi %while3A_165, %add3A_200 : i32
          scf.yield %add3A_201 : i32
        }
        scf.yield %while3A_163 : i32
      } else {
        scf.yield %cond3A_106 : i32
      }
      %mul3A_116 = arith.constant 4 : i32
      %mul3A_117 = arith.muli %mul3A_116, %scan3A_97 : i32
      %add3A_118 = arith.constant 2 : i32
      %add3A_119 = arith.addi %mul3A_117, %add3A_118 : i32
      %lt3A_120 = arith.cmpi slt, %add3A_119, %add3A_6 : i32
      %convert_element_type3A_121 = arith.extui %lt3A_120 : i1 to i32
      %cond3A_122 = arith.constant 0 : i32
      %cond3A_123 = arith.cmpi ne, %convert_element_type3A_121, %cond3A_122 : i32
      %cond3A_124 = scf.if %cond3A_123 -> (i32) {
        %mul3A_134 = arith.constant 256 : i32
        %mul3A_135 = arith.muli %add3A_119, %mul3A_134 : i32
        %add3A_136 = arith.addi %mul3A_2, %mul3A_135 : i32
        %dma_wait3A = arith.constant 0 : i32
        %dma_wait3A_137 = arith.constant 0 : i32
        %dma_wait3A_138 = tpu.memref_slice %arg3[%dma_wait3A, %dma_wait3A_137] : memref<64x1000000xf32, #tpu.memory_space<hbm>> -> memref<64x256xf32, #tpu.memory_space<hbm>>
        %dma_wait3A_139 = arith.constant 0 : i32
        %dma_wait3A_140 = arith.constant 0 : i32
        %dma_wait3A_141 = tpu.memref_slice %arg3[%dma_wait3A_139, %dma_wait3A_140] : memref<64x1000000xf32, #tpu.memory_space<hbm>> -> memref<64x256xf32, #tpu.memory_space<hbm>>
        tpu.wait_dma2 semaphore(%arg19 : memref<!tpu.dma_semaphore, #tpu.memory_space<semaphore_mem>>) src(%dma_wait3A_141 : memref<64x256xf32, #tpu.memory_space<hbm>>) dst(%arg11 : memref<64x256xf32, #tpu.memory_space<vmem>>)
        %add3A_142 = arith.constant 4 : i32
        %add3A_143 = arith.addi %add3A_119, %add3A_142 : i32
        %sub3A = arith.constant 1 : i32
        %sub3A_144 = arith.subi %add3A_143, %sub3A : i32
        %lt3A_145 = arith.cmpi slt, %sub3A_144, %add3A_6 : i32
        %convert_element_type3A_146 = arith.extui %lt3A_145 : i1 to i32
        %cond3A_147 = arith.constant 0 : i32
        %cond3A_148 = arith.cmpi ne, %convert_element_type3A_146, %cond3A_147 : i32
        scf.if %cond3A_148 {
          %add3A_164 = arith.constant 4 : i32
          %add3A_165 = arith.addi %add3A_119, %add3A_164 : i32
          %sub3A_166 = arith.constant 1 : i32
          %sub3A_167 = arith.subi %add3A_165, %sub3A_166 : i32
          %mul3A_168 = arith.constant 256 : i32
          %mul3A_169 = arith.muli %sub3A_167, %mul3A_168 : i32
          %add3A_170 = arith.addi %mul3A_2, %mul3A_169 : i32
          %multiple_of3A_171 = tpu.assume_multiple %add3A_170, 256 : i32
          %dma_start3A_172 = arith.constant 0 : i32
          %dma_start3A_173 = tpu.memref_slice %arg3[%dma_start3A_172, %multiple_of3A_171] : memref<64x1000000xf32, #tpu.memory_space<hbm>> -> memref<64x256xf32, #tpu.memory_space<hbm>>
          %dma_start3A_174 = arith.constant 0 : i32
          %dma_start3A_175 = tpu.memref_slice %arg3[%dma_start3A_174, %multiple_of3A_171] : memref<64x1000000xf32, #tpu.memory_space<hbm>> -> memref<64x256xf32, #tpu.memory_space<hbm>>
          tpu.enqueue_dma source(%dma_start3A_175 : memref<64x256xf32, #tpu.memory_space<hbm>>) target(%arg10 : memref<64x256xf32, #tpu.memory_space<vmem>>) target_semaphore(%arg18 : memref<!tpu.dma_semaphore, #tpu.memory_space<semaphore_mem>>)
        } else {
        }
        %get3A = arith.index_cast %add3A_119 : i32 to index
        %get3A_149 = memref.load %arg16[%get3A] : memref<126xi32, #tpu.memory_space<smem>>
        %add3A_150 = arith.constant 1 : i32
        %add3A_151 = arith.addi %add3A_119, %add3A_150 : i32
        %get3A_152 = arith.index_cast %add3A_151 : i32 to index
        %get3A_153 = memref.load %arg16[%get3A_152] : memref<126xi32, #tpu.memory_space<smem>>
        %while3A_154 = arith.subi %get3A_153, %get3A_149 : i32
        %while3A_155 = arith.addi %get3A_149, %while3A_154 : i32
        %while3A_156 = arith.constant 1 : i32
        %while3A_157 = arith.divsi %while3A_154, %while3A_156 : i32
        %while3A_158 = arith.muli %while3A_157, %while3A_156 : i32
        %while3A_159 = arith.addi %get3A_149, %while3A_158 : i32
        %while3A_160 = arith.constant 1 : i32
        %while3A_161 = scf.for %while3A_164 = %get3A_149 to %while3A_159 step %while3A_160 iter_args(%while3A_165 = %cond3A_115) -> (i32)  : i32 {
          %get3A_166 = arith.index_cast %while3A_164 : i32 to index
          %get3A_167 = tpu.vector_load %arg8[%get3A_166] {strides = array<i32>} : memref<16400xi32, #tpu.memory_space<vmem>>, vector<16xi32>,
          %slice3A = vector.extract_strided_slice %get3A_167 {offsets = [0], sizes = [1], strides = [1]} : vector<16xi32> to vector<1xi32>
          %squeeze3A = vector.extract %slice3A[0] : i32 from vector<1xi32>
          %get3A_168 = arith.index_cast %squeeze3A : i32 to index
          %get3A_169 = tpu.vector_load %arg6[%get3A_168] {strides = array<i32>} : memref<16400xi32, #tpu.memory_space<vmem>>, vector<16xi32>,
          %slice3A_170 = vector.extract_strided_slice %get3A_169 {offsets = [0], sizes = [1], strides = [1]} : vector<16xi32> to vector<1xi32>
          %squeeze3A_171 = vector.extract %slice3A_170[0] : i32 from vector<1xi32>
          %and3A = arith.constant 15 : i32
          %and3A_172 = arith.andi %while3A_165, %and3A : i32
          %sub3A_173 = arith.subi %squeeze3A_171, %add3A_136 : i32
          %broadcast_in_dim3A = vector.broadcast %sub3A_173 : i32 to vector<16xi32>
          %gather3A = tpu.vector_load_idx %arg11[%add3A_34, %broadcast_in_dim3A] : memref<64x256xf32, #tpu.memory_space<vmem>>[vector<16xi32>, vector<16xi32>], vector<16xf32>,
          %swap3A = arith.index_cast %and3A_172 : i32 to index
          %swap3A_174 = arith.constant 0 : index
          %swap3A_175 = tpu.vector_load %arg13[%swap3A, %swap3A_174] {strides = array<i32>} : memref<16x64xf32, #tpu.memory_space<vmem>>, vector<16xf32>,
          tpu.vector_store %arg13[%swap3A, %swap3A_174], %gather3A {strides = array<i32>} : memref<16x64xf32, #tpu.memory_space<vmem>>, vector<16xf32>,
          %gather3A_176 = tpu.vector_load_idx %arg11[%add3A_37, %broadcast_in_dim3A] : memref<64x256xf32, #tpu.memory_space<vmem>>[vector<16xi32>, vector<16xi32>], vector<16xf32>,
          %swap3A_177 = arith.index_cast %and3A_172 : i32 to index
          %swap3A_178 = arith.constant 16 : index
          %swap3A_179 = tpu.vector_load %arg13[%swap3A_177, %swap3A_178] {strides = array<i32>} : memref<16x64xf32, #tpu.memory_space<vmem>>, vector<16xf32>,
          tpu.vector_store %arg13[%swap3A_177, %swap3A_178], %gather3A_176 {strides = array<i32>} : memref<16x64xf32, #tpu.memory_space<vmem>>, vector<16xf32>,
          %gather3A_180 = tpu.vector_load_idx %arg11[%add3A_40, %broadcast_in_dim3A] : memref<64x256xf32, #tpu.memory_space<vmem>>[vector<16xi32>, vector<16xi32>], vector<16xf32>,
          %swap3A_181 = arith.index_cast %and3A_172 : i32 to index
          %swap3A_182 = arith.constant 32 : index
          %swap3A_183 = tpu.vector_load %arg13[%swap3A_181, %swap3A_182] {strides = array<i32>} : memref<16x64xf32, #tpu.memory_space<vmem>>, vector<16xf32>,
          tpu.vector_store %arg13[%swap3A_181, %swap3A_182], %gather3A_180 {strides = array<i32>} : memref<16x64xf32, #tpu.memory_space<vmem>>, vector<16xf32>,
          %gather3A_184 = tpu.vector_load_idx %arg11[%add3A_43, %broadcast_in_dim3A] : memref<64x256xf32, #tpu.memory_space<vmem>>[vector<16xi32>, vector<16xi32>], vector<16xf32>,
          %swap3A_185 = arith.index_cast %and3A_172 : i32 to index
          %swap3A_186 = arith.constant 48 : index
          %swap3A_187 = tpu.vector_load %arg13[%swap3A_185, %swap3A_186] {strides = array<i32>} : memref<16x64xf32, #tpu.memory_space<vmem>>, vector<16xf32>,
          tpu.vector_store %arg13[%swap3A_185, %swap3A_186], %gather3A_184 {strides = array<i32>} : memref<16x64xf32, #tpu.memory_space<vmem>>, vector<16xf32>,
          %dma_start3A_188 = arith.constant 0 : i32
          %dma_start3A_189 = tpu.memref_slice %arg13[%and3A_172, %dma_start3A_188] : memref<16x64xf32, #tpu.memory_space<vmem>> -> memref<1x64xf32, #tpu.memory_space<vmem>>
          %dma_start3A_190 = arith.constant 0 : i32
          %dma_start3A_191 = tpu.memref_slice %arg5[%squeeze3A, %dma_start3A_190] : memref<16384x64xf32, #tpu.memory_space<hbm>> -> memref<1x64xf32, #tpu.memory_space<hbm>>
          %dma_start3A_192 = arith.constant 0 : i32
          %dma_start3A_193 = tpu.memref_slice %arg5[%squeeze3A, %dma_start3A_192] : memref<16384x64xf32, #tpu.memory_space<hbm>> -> memref<1x64xf32, #tpu.memory_space<hbm>>
          %dma_start3A_194 = arith.constant 0 : i32
          %dma_start3A_195 = tpu.memref_slice %arg13[%and3A_172, %dma_start3A_194] : memref<16x64xf32, #tpu.memory_space<vmem>> -> memref<1x64xf32, #tpu.memory_space<vmem>>
          tpu.enqueue_dma source(%dma_start3A_195 : memref<1x64xf32, #tpu.memory_space<vmem>>) target(%dma_start3A_193 : memref<1x64xf32, #tpu.memory_space<hbm>>) target_semaphore(%arg21 : memref<!tpu.dma_semaphore, #tpu.memory_space<semaphore_mem>>)
          %ge3A = arith.constant 15 : i32
          %ge3A_196 = arith.cmpi sge, %while3A_165, %ge3A : i32
          %convert_element_type3A_197 = arith.extui %ge3A_196 : i1 to i32
          %cond3A_198 = arith.constant 0 : i32
          %cond3A_199 = arith.cmpi ne, %convert_element_type3A_197, %cond3A_198 : i32
          scf.if %cond3A_199 {
            %dma_wait3A_202 = arith.constant 0 : i32
            %dma_wait3A_203 = arith.constant 0 : i32
            %dma_wait3A_204 = tpu.memref_slice %arg13[%dma_wait3A_202, %dma_wait3A_203] : memref<16x64xf32, #tpu.memory_space<vmem>> -> memref<1x64xf32, #tpu.memory_space<vmem>>
            %dma_wait3A_205 = arith.constant 0 : i32
            %dma_wait3A_206 = arith.constant 0 : i32
            %dma_wait3A_207 = tpu.memref_slice %arg5[%dma_wait3A_205, %dma_wait3A_206] : memref<16384x64xf32, #tpu.memory_space<hbm>> -> memref<1x64xf32, #tpu.memory_space<hbm>>
            %dma_wait3A_208 = arith.constant 0 : i32
            %dma_wait3A_209 = arith.constant 0 : i32
            %dma_wait3A_210 = tpu.memref_slice %arg13[%dma_wait3A_208, %dma_wait3A_209] : memref<16x64xf32, #tpu.memory_space<vmem>> -> memref<1x64xf32, #tpu.memory_space<vmem>>
            %dma_wait3A_211 = arith.constant 0 : i32
            %dma_wait3A_212 = arith.constant 0 : i32
            %dma_wait3A_213 = tpu.memref_slice %arg5[%dma_wait3A_211, %dma_wait3A_212] : memref<16384x64xf32, #tpu.memory_space<hbm>> -> memref<1x64xf32, #tpu.memory_space<hbm>>
            tpu.wait_dma2 semaphore(%arg21 : memref<!tpu.dma_semaphore, #tpu.memory_space<semaphore_mem>>) src(%dma_wait3A_213 : memref<1x64xf32, #tpu.memory_space<hbm>>) dst(%dma_wait3A_210 : memref<1x64xf32, #tpu.memory_space<vmem>>)
          } else {
          }
          %add3A_200 = arith.constant 1 : i32
          %add3A_201 = arith.addi %while3A_165, %add3A_200 : i32
          scf.yield %add3A_201 : i32
        }
        %while3A_162 = arith.constant 1 : i32
        %while3A_163 = scf.for %while3A_164 = %while3A_159 to %while3A_155 step %while3A_162 iter_args(%while3A_165 = %while3A_161) -> (i32)  : i32 {
          %get3A_166 = arith.index_cast %while3A_164 : i32 to index
          %get3A_167 = tpu.vector_load %arg8[%get3A_166] {strides = array<i32>} : memref<16400xi32, #tpu.memory_space<vmem>>, vector<16xi32>,
          %slice3A = vector.extract_strided_slice %get3A_167 {offsets = [0], sizes = [1], strides = [1]} : vector<16xi32> to vector<1xi32>
          %squeeze3A = vector.extract %slice3A[0] : i32 from vector<1xi32>
          %get3A_168 = arith.index_cast %squeeze3A : i32 to index
          %get3A_169 = tpu.vector_load %arg6[%get3A_168] {strides = array<i32>} : memref<16400xi32, #tpu.memory_space<vmem>>, vector<16xi32>,
          %slice3A_170 = vector.extract_strided_slice %get3A_169 {offsets = [0], sizes = [1], strides = [1]} : vector<16xi32> to vector<1xi32>
          %squeeze3A_171 = vector.extract %slice3A_170[0] : i32 from vector<1xi32>
          %and3A = arith.constant 15 : i32
          %and3A_172 = arith.andi %while3A_165, %and3A : i32
          %sub3A_173 = arith.subi %squeeze3A_171, %add3A_136 : i32
          %broadcast_in_dim3A = vector.broadcast %sub3A_173 : i32 to vector<16xi32>
          %gather3A = tpu.vector_load_idx %arg11[%add3A_34, %broadcast_in_dim3A] : memref<64x256xf32, #tpu.memory_space<vmem>>[vector<16xi32>, vector<16xi32>], vector<16xf32>,
          %swap3A = arith.index_cast %and3A_172 : i32 to index
          %swap3A_174 = arith.constant 0 : index
          %swap3A_175 = tpu.vector_load %arg13[%swap3A, %swap3A_174] {strides = array<i32>} : memref<16x64xf32, #tpu.memory_space<vmem>>, vector<16xf32>,
          tpu.vector_store %arg13[%swap3A, %swap3A_174], %gather3A {strides = array<i32>} : memref<16x64xf32, #tpu.memory_space<vmem>>, vector<16xf32>,
          %gather3A_176 = tpu.vector_load_idx %arg11[%add3A_37, %broadcast_in_dim3A] : memref<64x256xf32, #tpu.memory_space<vmem>>[vector<16xi32>, vector<16xi32>], vector<16xf32>,
          %swap3A_177 = arith.index_cast %and3A_172 : i32 to index
          %swap3A_178 = arith.constant 16 : index
          %swap3A_179 = tpu.vector_load %arg13[%swap3A_177, %swap3A_178] {strides = array<i32>} : memref<16x64xf32, #tpu.memory_space<vmem>>, vector<16xf32>,
          tpu.vector_store %arg13[%swap3A_177, %swap3A_178], %gather3A_176 {strides = array<i32>} : memref<16x64xf32, #tpu.memory_space<vmem>>, vector<16xf32>,
          %gather3A_180 = tpu.vector_load_idx %arg11[%add3A_40, %broadcast_in_dim3A] : memref<64x256xf32, #tpu.memory_space<vmem>>[vector<16xi32>, vector<16xi32>], vector<16xf32>,
          %swap3A_181 = arith.index_cast %and3A_172 : i32 to index
          %swap3A_182 = arith.constant 32 : index
          %swap3A_183 = tpu.vector_load %arg13[%swap3A_181, %swap3A_182] {strides = array<i32>} : memref<16x64xf32, #tpu.memory_space<vmem>>, vector<16xf32>,
          tpu.vector_store %arg13[%swap3A_181, %swap3A_182], %gather3A_180 {strides = array<i32>} : memref<16x64xf32, #tpu.memory_space<vmem>>, vector<16xf32>,
          %gather3A_184 = tpu.vector_load_idx %arg11[%add3A_43, %broadcast_in_dim3A] : memref<64x256xf32, #tpu.memory_space<vmem>>[vector<16xi32>, vector<16xi32>], vector<16xf32>,
          %swap3A_185 = arith.index_cast %and3A_172 : i32 to index
          %swap3A_186 = arith.constant 48 : index
          %swap3A_187 = tpu.vector_load %arg13[%swap3A_185, %swap3A_186] {strides = array<i32>} : memref<16x64xf32, #tpu.memory_space<vmem>>, vector<16xf32>,
          tpu.vector_store %arg13[%swap3A_185, %swap3A_186], %gather3A_184 {strides = array<i32>} : memref<16x64xf32, #tpu.memory_space<vmem>>, vector<16xf32>,
          %dma_start3A_188 = arith.constant 0 : i32
          %dma_start3A_189 = tpu.memref_slice %arg13[%and3A_172, %dma_start3A_188] : memref<16x64xf32, #tpu.memory_space<vmem>> -> memref<1x64xf32, #tpu.memory_space<vmem>>
          %dma_start3A_190 = arith.constant 0 : i32
          %dma_start3A_191 = tpu.memref_slice %arg5[%squeeze3A, %dma_start3A_190] : memref<16384x64xf32, #tpu.memory_space<hbm>> -> memref<1x64xf32, #tpu.memory_space<hbm>>
          %dma_start3A_192 = arith.constant 0 : i32
          %dma_start3A_193 = tpu.memref_slice %arg5[%squeeze3A, %dma_start3A_192] : memref<16384x64xf32, #tpu.memory_space<hbm>> -> memref<1x64xf32, #tpu.memory_space<hbm>>
          %dma_start3A_194 = arith.constant 0 : i32
          %dma_start3A_195 = tpu.memref_slice %arg13[%and3A_172, %dma_start3A_194] : memref<16x64xf32, #tpu.memory_space<vmem>> -> memref<1x64xf32, #tpu.memory_space<vmem>>
          tpu.enqueue_dma source(%dma_start3A_195 : memref<1x64xf32, #tpu.memory_space<vmem>>) target(%dma_start3A_193 : memref<1x64xf32, #tpu.memory_space<hbm>>) target_semaphore(%arg21 : memref<!tpu.dma_semaphore, #tpu.memory_space<semaphore_mem>>)
          %ge3A = arith.constant 15 : i32
          %ge3A_196 = arith.cmpi sge, %while3A_165, %ge3A : i32
          %convert_element_type3A_197 = arith.extui %ge3A_196 : i1 to i32
          %cond3A_198 = arith.constant 0 : i32
          %cond3A_199 = arith.cmpi ne, %convert_element_type3A_197, %cond3A_198 : i32
          scf.if %cond3A_199 {
            %dma_wait3A_202 = arith.constant 0 : i32
            %dma_wait3A_203 = arith.constant 0 : i32
            %dma_wait3A_204 = tpu.memref_slice %arg13[%dma_wait3A_202, %dma_wait3A_203] : memref<16x64xf32, #tpu.memory_space<vmem>> -> memref<1x64xf32, #tpu.memory_space<vmem>>
            %dma_wait3A_205 = arith.constant 0 : i32
            %dma_wait3A_206 = arith.constant 0 : i32
            %dma_wait3A_207 = tpu.memref_slice %arg5[%dma_wait3A_205, %dma_wait3A_206] : memref<16384x64xf32, #tpu.memory_space<hbm>> -> memref<1x64xf32, #tpu.memory_space<hbm>>
            %dma_wait3A_208 = arith.constant 0 : i32
            %dma_wait3A_209 = arith.constant 0 : i32
            %dma_wait3A_210 = tpu.memref_slice %arg13[%dma_wait3A_208, %dma_wait3A_209] : memref<16x64xf32, #tpu.memory_space<vmem>> -> memref<1x64xf32, #tpu.memory_space<vmem>>
            %dma_wait3A_211 = arith.constant 0 : i32
            %dma_wait3A_212 = arith.constant 0 : i32
            %dma_wait3A_213 = tpu.memref_slice %arg5[%dma_wait3A_211, %dma_wait3A_212] : memref<16384x64xf32, #tpu.memory_space<hbm>> -> memref<1x64xf32, #tpu.memory_space<hbm>>
            tpu.wait_dma2 semaphore(%arg21 : memref<!tpu.dma_semaphore, #tpu.memory_space<semaphore_mem>>) src(%dma_wait3A_213 : memref<1x64xf32, #tpu.memory_space<hbm>>) dst(%dma_wait3A_210 : memref<1x64xf32, #tpu.memory_space<vmem>>)
          } else {
          }
          %add3A_200 = arith.constant 1 : i32
          %add3A_201 = arith.addi %while3A_165, %add3A_200 : i32
          scf.yield %add3A_201 : i32
        }
        scf.yield %while3A_163 : i32
      } else {
        scf.yield %cond3A_115 : i32
      }
      %mul3A_125 = arith.constant 4 : i32
      %mul3A_126 = arith.muli %mul3A_125, %scan3A_97 : i32
      %add3A_127 = arith.constant 3 : i32
      %add3A_128 = arith.addi %mul3A_126, %add3A_127 : i32
      %lt3A_129 = arith.cmpi slt, %add3A_128, %add3A_6 : i32
      %convert_element_type3A_130 = arith.extui %lt3A_129 : i1 to i32
      %cond3A_131 = arith.constant 0 : i32
      %cond3A_132 = arith.cmpi ne, %convert_element_type3A_130, %cond3A_131 : i32
      %cond3A_133 = scf.if %cond3A_132 -> (i32) {
        %mul3A_134 = arith.constant 256 : i32
        %mul3A_135 = arith.muli %add3A_128, %mul3A_134 : i32
        %add3A_136 = arith.addi %mul3A_2, %mul3A_135 : i32
        %dma_wait3A = arith.constant 0 : i32
        %dma_wait3A_137 = arith.constant 0 : i32
        %dma_wait3A_138 = tpu.memref_slice %arg3[%dma_wait3A, %dma_wait3A_137] : memref<64x1000000xf32, #tpu.memory_space<hbm>> -> memref<64x256xf32, #tpu.memory_space<hbm>>
        %dma_wait3A_139 = arith.constant 0 : i32
        %dma_wait3A_140 = arith.constant 0 : i32
        %dma_wait3A_141 = tpu.memref_slice %arg3[%dma_wait3A_139, %dma_wait3A_140] : memref<64x1000000xf32, #tpu.memory_space<hbm>> -> memref<64x256xf32, #tpu.memory_space<hbm>>
        tpu.wait_dma2 semaphore(%arg20 : memref<!tpu.dma_semaphore, #tpu.memory_space<semaphore_mem>>) src(%dma_wait3A_141 : memref<64x256xf32, #tpu.memory_space<hbm>>) dst(%arg12 : memref<64x256xf32, #tpu.memory_space<vmem>>)
        %add3A_142 = arith.constant 4 : i32
        %add3A_143 = arith.addi %add3A_128, %add3A_142 : i32
        %sub3A = arith.constant 1 : i32
        %sub3A_144 = arith.subi %add3A_143, %sub3A : i32
        %lt3A_145 = arith.cmpi slt, %sub3A_144, %add3A_6 : i32
        %convert_element_type3A_146 = arith.extui %lt3A_145 : i1 to i32
        %cond3A_147 = arith.constant 0 : i32
        %cond3A_148 = arith.cmpi ne, %convert_element_type3A_146, %cond3A_147 : i32
        scf.if %cond3A_148 {
          %add3A_164 = arith.constant 4 : i32
          %add3A_165 = arith.addi %add3A_128, %add3A_164 : i32
          %sub3A_166 = arith.constant 1 : i32
          %sub3A_167 = arith.subi %add3A_165, %sub3A_166 : i32
          %mul3A_168 = arith.constant 256 : i32
          %mul3A_169 = arith.muli %sub3A_167, %mul3A_168 : i32
          %add3A_170 = arith.addi %mul3A_2, %mul3A_169 : i32
          %multiple_of3A_171 = tpu.assume_multiple %add3A_170, 256 : i32
          %dma_start3A_172 = arith.constant 0 : i32
          %dma_start3A_173 = tpu.memref_slice %arg3[%dma_start3A_172, %multiple_of3A_171] : memref<64x1000000xf32, #tpu.memory_space<hbm>> -> memref<64x256xf32, #tpu.memory_space<hbm>>
          %dma_start3A_174 = arith.constant 0 : i32
          %dma_start3A_175 = tpu.memref_slice %arg3[%dma_start3A_174, %multiple_of3A_171] : memref<64x1000000xf32, #tpu.memory_space<hbm>> -> memref<64x256xf32, #tpu.memory_space<hbm>>
          tpu.enqueue_dma source(%dma_start3A_175 : memref<64x256xf32, #tpu.memory_space<hbm>>) target(%arg11 : memref<64x256xf32, #tpu.memory_space<vmem>>) target_semaphore(%arg19 : memref<!tpu.dma_semaphore, #tpu.memory_space<semaphore_mem>>)
        } else {
        }
        %get3A = arith.index_cast %add3A_128 : i32 to index
        %get3A_149 = memref.load %arg16[%get3A] : memref<126xi32, #tpu.memory_space<smem>>
        %add3A_150 = arith.constant 1 : i32
        %add3A_151 = arith.addi %add3A_128, %add3A_150 : i32
        %get3A_152 = arith.index_cast %add3A_151 : i32 to index
        %get3A_153 = memref.load %arg16[%get3A_152] : memref<126xi32, #tpu.memory_space<smem>>
        %while3A_154 = arith.subi %get3A_153, %get3A_149 : i32
        %while3A_155 = arith.addi %get3A_149, %while3A_154 : i32
        %while3A_156 = arith.constant 1 : i32
        %while3A_157 = arith.divsi %while3A_154, %while3A_156 : i32
        %while3A_158 = arith.muli %while3A_157, %while3A_156 : i32
        %while3A_159 = arith.addi %get3A_149, %while3A_158 : i32
        %while3A_160 = arith.constant 1 : i32
        %while3A_161 = scf.for %while3A_164 = %get3A_149 to %while3A_159 step %while3A_160 iter_args(%while3A_165 = %cond3A_124) -> (i32)  : i32 {
          %get3A_166 = arith.index_cast %while3A_164 : i32 to index
          %get3A_167 = tpu.vector_load %arg8[%get3A_166] {strides = array<i32>} : memref<16400xi32, #tpu.memory_space<vmem>>, vector<16xi32>,
          %slice3A = vector.extract_strided_slice %get3A_167 {offsets = [0], sizes = [1], strides = [1]} : vector<16xi32> to vector<1xi32>
          %squeeze3A = vector.extract %slice3A[0] : i32 from vector<1xi32>
          %get3A_168 = arith.index_cast %squeeze3A : i32 to index
          %get3A_169 = tpu.vector_load %arg6[%get3A_168] {strides = array<i32>} : memref<16400xi32, #tpu.memory_space<vmem>>, vector<16xi32>,
          %slice3A_170 = vector.extract_strided_slice %get3A_169 {offsets = [0], sizes = [1], strides = [1]} : vector<16xi32> to vector<1xi32>
          %squeeze3A_171 = vector.extract %slice3A_170[0] : i32 from vector<1xi32>
          %and3A = arith.constant 15 : i32
          %and3A_172 = arith.andi %while3A_165, %and3A : i32
          %sub3A_173 = arith.subi %squeeze3A_171, %add3A_136 : i32
          %broadcast_in_dim3A = vector.broadcast %sub3A_173 : i32 to vector<16xi32>
          %gather3A = tpu.vector_load_idx %arg12[%add3A_34, %broadcast_in_dim3A] : memref<64x256xf32, #tpu.memory_space<vmem>>[vector<16xi32>, vector<16xi32>], vector<16xf32>,
          %swap3A = arith.index_cast %and3A_172 : i32 to index
          %swap3A_174 = arith.constant 0 : index
          %swap3A_175 = tpu.vector_load %arg13[%swap3A, %swap3A_174] {strides = array<i32>} : memref<16x64xf32, #tpu.memory_space<vmem>>, vector<16xf32>,
          tpu.vector_store %arg13[%swap3A, %swap3A_174], %gather3A {strides = array<i32>} : memref<16x64xf32, #tpu.memory_space<vmem>>, vector<16xf32>,
          %gather3A_176 = tpu.vector_load_idx %arg12[%add3A_37, %broadcast_in_dim3A] : memref<64x256xf32, #tpu.memory_space<vmem>>[vector<16xi32>, vector<16xi32>], vector<16xf32>,
          %swap3A_177 = arith.index_cast %and3A_172 : i32 to index
          %swap3A_178 = arith.constant 16 : index
          %swap3A_179 = tpu.vector_load %arg13[%swap3A_177, %swap3A_178] {strides = array<i32>} : memref<16x64xf32, #tpu.memory_space<vmem>>, vector<16xf32>,
          tpu.vector_store %arg13[%swap3A_177, %swap3A_178], %gather3A_176 {strides = array<i32>} : memref<16x64xf32, #tpu.memory_space<vmem>>, vector<16xf32>,
          %gather3A_180 = tpu.vector_load_idx %arg12[%add3A_40, %broadcast_in_dim3A] : memref<64x256xf32, #tpu.memory_space<vmem>>[vector<16xi32>, vector<16xi32>], vector<16xf32>,
          %swap3A_181 = arith.index_cast %and3A_172 : i32 to index
          %swap3A_182 = arith.constant 32 : index
          %swap3A_183 = tpu.vector_load %arg13[%swap3A_181, %swap3A_182] {strides = array<i32>} : memref<16x64xf32, #tpu.memory_space<vmem>>, vector<16xf32>,
          tpu.vector_store %arg13[%swap3A_181, %swap3A_182], %gather3A_180 {strides = array<i32>} : memref<16x64xf32, #tpu.memory_space<vmem>>, vector<16xf32>,
          %gather3A_184 = tpu.vector_load_idx %arg12[%add3A_43, %broadcast_in_dim3A] : memref<64x256xf32, #tpu.memory_space<vmem>>[vector<16xi32>, vector<16xi32>], vector<16xf32>,
          %swap3A_185 = arith.index_cast %and3A_172 : i32 to index
          %swap3A_186 = arith.constant 48 : index
          %swap3A_187 = tpu.vector_load %arg13[%swap3A_185, %swap3A_186] {strides = array<i32>} : memref<16x64xf32, #tpu.memory_space<vmem>>, vector<16xf32>,
          tpu.vector_store %arg13[%swap3A_185, %swap3A_186], %gather3A_184 {strides = array<i32>} : memref<16x64xf32, #tpu.memory_space<vmem>>, vector<16xf32>,
          %dma_start3A_188 = arith.constant 0 : i32
          %dma_start3A_189 = tpu.memref_slice %arg13[%and3A_172, %dma_start3A_188] : memref<16x64xf32, #tpu.memory_space<vmem>> -> memref<1x64xf32, #tpu.memory_space<vmem>>
          %dma_start3A_190 = arith.constant 0 : i32
          %dma_start3A_191 = tpu.memref_slice %arg5[%squeeze3A, %dma_start3A_190] : memref<16384x64xf32, #tpu.memory_space<hbm>> -> memref<1x64xf32, #tpu.memory_space<hbm>>
          %dma_start3A_192 = arith.constant 0 : i32
          %dma_start3A_193 = tpu.memref_slice %arg5[%squeeze3A, %dma_start3A_192] : memref<16384x64xf32, #tpu.memory_space<hbm>> -> memref<1x64xf32, #tpu.memory_space<hbm>>
          %dma_start3A_194 = arith.constant 0 : i32
          %dma_start3A_195 = tpu.memref_slice %arg13[%and3A_172, %dma_start3A_194] : memref<16x64xf32, #tpu.memory_space<vmem>> -> memref<1x64xf32, #tpu.memory_space<vmem>>
          tpu.enqueue_dma source(%dma_start3A_195 : memref<1x64xf32, #tpu.memory_space<vmem>>) target(%dma_start3A_193 : memref<1x64xf32, #tpu.memory_space<hbm>>) target_semaphore(%arg21 : memref<!tpu.dma_semaphore, #tpu.memory_space<semaphore_mem>>)
          %ge3A = arith.constant 15 : i32
          %ge3A_196 = arith.cmpi sge, %while3A_165, %ge3A : i32
          %convert_element_type3A_197 = arith.extui %ge3A_196 : i1 to i32
          %cond3A_198 = arith.constant 0 : i32
          %cond3A_199 = arith.cmpi ne, %convert_element_type3A_197, %cond3A_198 : i32
          scf.if %cond3A_199 {
            %dma_wait3A_202 = arith.constant 0 : i32
            %dma_wait3A_203 = arith.constant 0 : i32
            %dma_wait3A_204 = tpu.memref_slice %arg13[%dma_wait3A_202, %dma_wait3A_203] : memref<16x64xf32, #tpu.memory_space<vmem>> -> memref<1x64xf32, #tpu.memory_space<vmem>>
            %dma_wait3A_205 = arith.constant 0 : i32
            %dma_wait3A_206 = arith.constant 0 : i32
            %dma_wait3A_207 = tpu.memref_slice %arg5[%dma_wait3A_205, %dma_wait3A_206] : memref<16384x64xf32, #tpu.memory_space<hbm>> -> memref<1x64xf32, #tpu.memory_space<hbm>>
            %dma_wait3A_208 = arith.constant 0 : i32
            %dma_wait3A_209 = arith.constant 0 : i32
            %dma_wait3A_210 = tpu.memref_slice %arg13[%dma_wait3A_208, %dma_wait3A_209] : memref<16x64xf32, #tpu.memory_space<vmem>> -> memref<1x64xf32, #tpu.memory_space<vmem>>
            %dma_wait3A_211 = arith.constant 0 : i32
            %dma_wait3A_212 = arith.constant 0 : i32
            %dma_wait3A_213 = tpu.memref_slice %arg5[%dma_wait3A_211, %dma_wait3A_212] : memref<16384x64xf32, #tpu.memory_space<hbm>> -> memref<1x64xf32, #tpu.memory_space<hbm>>
            tpu.wait_dma2 semaphore(%arg21 : memref<!tpu.dma_semaphore, #tpu.memory_space<semaphore_mem>>) src(%dma_wait3A_213 : memref<1x64xf32, #tpu.memory_space<hbm>>) dst(%dma_wait3A_210 : memref<1x64xf32, #tpu.memory_space<vmem>>)
          } else {
          }
          %add3A_200 = arith.constant 1 : i32
          %add3A_201 = arith.addi %while3A_165, %add3A_200 : i32
          scf.yield %add3A_201 : i32
        }
        %while3A_162 = arith.constant 1 : i32
        %while3A_163 = scf.for %while3A_164 = %while3A_159 to %while3A_155 step %while3A_162 iter_args(%while3A_165 = %while3A_161) -> (i32)  : i32 {
          %get3A_166 = arith.index_cast %while3A_164 : i32 to index
          %get3A_167 = tpu.vector_load %arg8[%get3A_166] {strides = array<i32>} : memref<16400xi32, #tpu.memory_space<vmem>>, vector<16xi32>,
          %slice3A = vector.extract_strided_slice %get3A_167 {offsets = [0], sizes = [1], strides = [1]} : vector<16xi32> to vector<1xi32>
          %squeeze3A = vector.extract %slice3A[0] : i32 from vector<1xi32>
          %get3A_168 = arith.index_cast %squeeze3A : i32 to index
          %get3A_169 = tpu.vector_load %arg6[%get3A_168] {strides = array<i32>} : memref<16400xi32, #tpu.memory_space<vmem>>, vector<16xi32>,
          %slice3A_170 = vector.extract_strided_slice %get3A_169 {offsets = [0], sizes = [1], strides = [1]} : vector<16xi32> to vector<1xi32>
          %squeeze3A_171 = vector.extract %slice3A_170[0] : i32 from vector<1xi32>
          %and3A = arith.constant 15 : i32
          %and3A_172 = arith.andi %while3A_165, %and3A : i32
          %sub3A_173 = arith.subi %squeeze3A_171, %add3A_136 : i32
          %broadcast_in_dim3A = vector.broadcast %sub3A_173 : i32 to vector<16xi32>
          %gather3A = tpu.vector_load_idx %arg12[%add3A_34, %broadcast_in_dim3A] : memref<64x256xf32, #tpu.memory_space<vmem>>[vector<16xi32>, vector<16xi32>], vector<16xf32>,
          %swap3A = arith.index_cast %and3A_172 : i32 to index
          %swap3A_174 = arith.constant 0 : index
          %swap3A_175 = tpu.vector_load %arg13[%swap3A, %swap3A_174] {strides = array<i32>} : memref<16x64xf32, #tpu.memory_space<vmem>>, vector<16xf32>,
          tpu.vector_store %arg13[%swap3A, %swap3A_174], %gather3A {strides = array<i32>} : memref<16x64xf32, #tpu.memory_space<vmem>>, vector<16xf32>,
          %gather3A_176 = tpu.vector_load_idx %arg12[%add3A_37, %broadcast_in_dim3A] : memref<64x256xf32, #tpu.memory_space<vmem>>[vector<16xi32>, vector<16xi32>], vector<16xf32>,
          %swap3A_177 = arith.index_cast %and3A_172 : i32 to index
          %swap3A_178 = arith.constant 16 : index
          %swap3A_179 = tpu.vector_load %arg13[%swap3A_177, %swap3A_178] {strides = array<i32>} : memref<16x64xf32, #tpu.memory_space<vmem>>, vector<16xf32>,
          tpu.vector_store %arg13[%swap3A_177, %swap3A_178], %gather3A_176 {strides = array<i32>} : memref<16x64xf32, #tpu.memory_space<vmem>>, vector<16xf32>,
          %gather3A_180 = tpu.vector_load_idx %arg12[%add3A_40, %broadcast_in_dim3A] : memref<64x256xf32, #tpu.memory_space<vmem>>[vector<16xi32>, vector<16xi32>], vector<16xf32>,
          %swap3A_181 = arith.index_cast %and3A_172 : i32 to index
          %swap3A_182 = arith.constant 32 : index
          %swap3A_183 = tpu.vector_load %arg13[%swap3A_181, %swap3A_182] {strides = array<i32>} : memref<16x64xf32, #tpu.memory_space<vmem>>, vector<16xf32>,
          tpu.vector_store %arg13[%swap3A_181, %swap3A_182], %gather3A_180 {strides = array<i32>} : memref<16x64xf32, #tpu.memory_space<vmem>>, vector<16xf32>,
          %gather3A_184 = tpu.vector_load_idx %arg12[%add3A_43, %broadcast_in_dim3A] : memref<64x256xf32, #tpu.memory_space<vmem>>[vector<16xi32>, vector<16xi32>], vector<16xf32>,
          %swap3A_185 = arith.index_cast %and3A_172 : i32 to index
          %swap3A_186 = arith.constant 48 : index
          %swap3A_187 = tpu.vector_load %arg13[%swap3A_185, %swap3A_186] {strides = array<i32>} : memref<16x64xf32, #tpu.memory_space<vmem>>, vector<16xf32>,
          tpu.vector_store %arg13[%swap3A_185, %swap3A_186], %gather3A_184 {strides = array<i32>} : memref<16x64xf32, #tpu.memory_space<vmem>>, vector<16xf32>,
          %dma_start3A_188 = arith.constant 0 : i32
          %dma_start3A_189 = tpu.memref_slice %arg13[%and3A_172, %dma_start3A_188] : memref<16x64xf32, #tpu.memory_space<vmem>> -> memref<1x64xf32, #tpu.memory_space<vmem>>
          %dma_start3A_190 = arith.constant 0 : i32
          %dma_start3A_191 = tpu.memref_slice %arg5[%squeeze3A, %dma_start3A_190] : memref<16384x64xf32, #tpu.memory_space<hbm>> -> memref<1x64xf32, #tpu.memory_space<hbm>>
          %dma_start3A_192 = arith.constant 0 : i32
          %dma_start3A_193 = tpu.memref_slice %arg5[%squeeze3A, %dma_start3A_192] : memref<16384x64xf32, #tpu.memory_space<hbm>> -> memref<1x64xf32, #tpu.memory_space<hbm>>
          %dma_start3A_194 = arith.constant 0 : i32
          %dma_start3A_195 = tpu.memref_slice %arg13[%and3A_172, %dma_start3A_194] : memref<16x64xf32, #tpu.memory_space<vmem>> -> memref<1x64xf32, #tpu.memory_space<vmem>>
          tpu.enqueue_dma source(%dma_start3A_195 : memref<1x64xf32, #tpu.memory_space<vmem>>) target(%dma_start3A_193 : memref<1x64xf32, #tpu.memory_space<hbm>>) target_semaphore(%arg21 : memref<!tpu.dma_semaphore, #tpu.memory_space<semaphore_mem>>)
          %ge3A = arith.constant 15 : i32
          %ge3A_196 = arith.cmpi sge, %while3A_165, %ge3A : i32
          %convert_element_type3A_197 = arith.extui %ge3A_196 : i1 to i32
          %cond3A_198 = arith.constant 0 : i32
          %cond3A_199 = arith.cmpi ne, %convert_element_type3A_197, %cond3A_198 : i32
          scf.if %cond3A_199 {
            %dma_wait3A_202 = arith.constant 0 : i32
            %dma_wait3A_203 = arith.constant 0 : i32
            %dma_wait3A_204 = tpu.memref_slice %arg13[%dma_wait3A_202, %dma_wait3A_203] : memref<16x64xf32, #tpu.memory_space<vmem>> -> memref<1x64xf32, #tpu.memory_space<vmem>>
            %dma_wait3A_205 = arith.constant 0 : i32
            %dma_wait3A_206 = arith.constant 0 : i32
            %dma_wait3A_207 = tpu.memref_slice %arg5[%dma_wait3A_205, %dma_wait3A_206] : memref<16384x64xf32, #tpu.memory_space<hbm>> -> memref<1x64xf32, #tpu.memory_space<hbm>>
            %dma_wait3A_208 = arith.constant 0 : i32
            %dma_wait3A_209 = arith.constant 0 : i32
            %dma_wait3A_210 = tpu.memref_slice %arg13[%dma_wait3A_208, %dma_wait3A_209] : memref<16x64xf32, #tpu.memory_space<vmem>> -> memref<1x64xf32, #tpu.memory_space<vmem>>
            %dma_wait3A_211 = arith.constant 0 : i32
            %dma_wait3A_212 = arith.constant 0 : i32
            %dma_wait3A_213 = tpu.memref_slice %arg5[%dma_wait3A_211, %dma_wait3A_212] : memref<16384x64xf32, #tpu.memory_space<hbm>> -> memref<1x64xf32, #tpu.memory_space<hbm>>
            tpu.wait_dma2 semaphore(%arg21 : memref<!tpu.dma_semaphore, #tpu.memory_space<semaphore_mem>>) src(%dma_wait3A_213 : memref<1x64xf32, #tpu.memory_space<hbm>>) dst(%dma_wait3A_210 : memref<1x64xf32, #tpu.memory_space<vmem>>)
          } else {
          }
          %add3A_200 = arith.constant 1 : i32
          %add3A_201 = arith.addi %while3A_165, %add3A_200 : i32
          scf.yield %add3A_201 : i32
        }
        scf.yield %while3A_163 : i32
      } else {
        scf.yield %cond3A_124 : i32
      }
      scf.yield %cond3A_133 : i32
    }
    %scan3A_88 = arith.constant 31 : i32
    %convert_element_type3A = arith.extui %eq3A_3 : i1 to i32
    %cond3A = arith.constant 0 : i32
    %cond3A_89 = arith.cmpi ne, %convert_element_type3A, %cond3A : i32
    %cond3A_90 = scf.if %cond3A_89 -> (i32) {
      "tpu.region"() ({
        %run_scoped3A = tpu.sem_alloc : memref<!tpu.dma_semaphore, #tpu.memory_space<semaphore_mem>>
        tpu.enqueue_dma source(%arg4 : memref<64x64xf32, #tpu.memory_space<hbm>>) target(%arg14 : memref<64x64xf32, #tpu.memory_space<vmem>>) target_semaphore(%run_scoped3A : memref<!tpu.dma_semaphore, #tpu.memory_space<semaphore_mem>>)
        tpu.wait_dma2 semaphore(%run_scoped3A : memref<!tpu.dma_semaphore, #tpu.memory_space<semaphore_mem>>) src(%arg4 : memref<64x64xf32, #tpu.memory_space<hbm>>) dst(%arg14 : memref<64x64xf32, #tpu.memory_space<vmem>>)
        tpu.yield
      }) : () -> ()
      %get3A = arith.constant 124 : i32
      %get3A_97 = arith.index_cast %get3A : i32 to index
      %get3A_98 = memref.load %arg16[%get3A_97] : memref<126xi32, #tpu.memory_space<smem>>
      %get3A_99 = arith.constant 125 : i32
      %get3A_100 = arith.index_cast %get3A_99 : i32 to index
      %get3A_101 = memref.load %arg16[%get3A_100] : memref<126xi32, #tpu.memory_space<smem>>
      %while3A_102 = arith.subi %get3A_101, %get3A_98 : i32
      %while3A_103 = arith.addi %get3A_98, %while3A_102 : i32
      %while3A_104 = arith.constant 1 : i32
      %while3A_105 = arith.divsi %while3A_102, %while3A_104 : i32
      %while3A_106 = arith.muli %while3A_105, %while3A_104 : i32
      %while3A_107 = arith.addi %get3A_98, %while3A_106 : i32
      %while3A_108 = arith.constant 1 : i32
      %while3A_109 = scf.for %while3A_112 = %get3A_98 to %while3A_107 step %while3A_108 iter_args(%while3A_113 = %scan3A_87) -> (i32)  : i32 {
        %get3A_114 = arith.index_cast %while3A_112 : i32 to index
        %get3A_115 = tpu.vector_load %arg8[%get3A_114] {strides = array<i32>} : memref<16400xi32, #tpu.memory_space<vmem>>, vector<16xi32>,
        %slice3A = vector.extract_strided_slice %get3A_115 {offsets = [0], sizes = [1], strides = [1]} : vector<16xi32> to vector<1xi32>
        %squeeze3A = vector.extract %slice3A[0] : i32 from vector<1xi32>
        %get3A_116 = arith.index_cast %squeeze3A : i32 to index
        %get3A_117 = tpu.vector_load %arg6[%get3A_116] {strides = array<i32>} : memref<16400xi32, #tpu.memory_space<vmem>>, vector<16xi32>,
        %slice3A_118 = vector.extract_strided_slice %get3A_117 {offsets = [0], sizes = [1], strides = [1]} : vector<16xi32> to vector<1xi32>
        %squeeze3A_119 = vector.extract %slice3A_118[0] : i32 from vector<1xi32>
        %and3A = arith.constant 15 : i32
        %and3A_120 = arith.andi %while3A_113, %and3A : i32
        %sub3A = arith.constant 999936 : i32
        %sub3A_121 = arith.subi %squeeze3A_119, %sub3A : i32
        %broadcast_in_dim3A = vector.broadcast %sub3A_121 : i32 to vector<16xi32>
        %gather3A = tpu.vector_load_idx %arg14[%broadcast_in_dim3A, %add3A_34] : memref<64x64xf32, #tpu.memory_space<vmem>>[vector<16xi32>, vector<16xi32>], vector<16xf32>,
        %swap3A = arith.index_cast %and3A_120 : i32 to index
        %swap3A_122 = arith.constant 0 : index
        %swap3A_123 = tpu.vector_load %arg13[%swap3A, %swap3A_122] {strides = array<i32>} : memref<16x64xf32, #tpu.memory_space<vmem>>, vector<16xf32>,
        tpu.vector_store %arg13[%swap3A, %swap3A_122], %gather3A {strides = array<i32>} : memref<16x64xf32, #tpu.memory_space<vmem>>, vector<16xf32>,
        %gather3A_124 = tpu.vector_load_idx %arg14[%broadcast_in_dim3A, %add3A_37] : memref<64x64xf32, #tpu.memory_space<vmem>>[vector<16xi32>, vector<16xi32>], vector<16xf32>,
        %swap3A_125 = arith.index_cast %and3A_120 : i32 to index
        %swap3A_126 = arith.constant 16 : index
        %swap3A_127 = tpu.vector_load %arg13[%swap3A_125, %swap3A_126] {strides = array<i32>} : memref<16x64xf32, #tpu.memory_space<vmem>>, vector<16xf32>,
        tpu.vector_store %arg13[%swap3A_125, %swap3A_126], %gather3A_124 {strides = array<i32>} : memref<16x64xf32, #tpu.memory_space<vmem>>, vector<16xf32>,
        %gather3A_128 = tpu.vector_load_idx %arg14[%broadcast_in_dim3A, %add3A_40] : memref<64x64xf32, #tpu.memory_space<vmem>>[vector<16xi32>, vector<16xi32>], vector<16xf32>,
        %swap3A_129 = arith.index_cast %and3A_120 : i32 to index
        %swap3A_130 = arith.constant 32 : index
        %swap3A_131 = tpu.vector_load %arg13[%swap3A_129, %swap3A_130] {strides = array<i32>} : memref<16x64xf32, #tpu.memory_space<vmem>>, vector<16xf32>,
        tpu.vector_store %arg13[%swap3A_129, %swap3A_130], %gather3A_128 {strides = array<i32>} : memref<16x64xf32, #tpu.memory_space<vmem>>, vector<16xf32>,
        %gather3A_132 = tpu.vector_load_idx %arg14[%broadcast_in_dim3A, %add3A_43] : memref<64x64xf32, #tpu.memory_space<vmem>>[vector<16xi32>, vector<16xi32>], vector<16xf32>,
        %swap3A_133 = arith.index_cast %and3A_120 : i32 to index
        %swap3A_134 = arith.constant 48 : index
        %swap3A_135 = tpu.vector_load %arg13[%swap3A_133, %swap3A_134] {strides = array<i32>} : memref<16x64xf32, #tpu.memory_space<vmem>>, vector<16xf32>,
        tpu.vector_store %arg13[%swap3A_133, %swap3A_134], %gather3A_132 {strides = array<i32>} : memref<16x64xf32, #tpu.memory_space<vmem>>, vector<16xf32>,
        %dma_start3A_136 = arith.constant 0 : i32
        %dma_start3A_137 = tpu.memref_slice %arg13[%and3A_120, %dma_start3A_136] : memref<16x64xf32, #tpu.memory_space<vmem>> -> memref<1x64xf32, #tpu.memory_space<vmem>>
        %dma_start3A_138 = arith.constant 0 : i32
        %dma_start3A_139 = tpu.memref_slice %arg5[%squeeze3A, %dma_start3A_138] : memref<16384x64xf32, #tpu.memory_space<hbm>> -> memref<1x64xf32, #tpu.memory_space<hbm>>
        %dma_start3A_140 = arith.constant 0 : i32
        %dma_start3A_141 = tpu.memref_slice %arg5[%squeeze3A, %dma_start3A_140] : memref<16384x64xf32, #tpu.memory_space<hbm>> -> memref<1x64xf32, #tpu.memory_space<hbm>>
        %dma_start3A_142 = arith.constant 0 : i32
        %dma_start3A_143 = tpu.memref_slice %arg13[%and3A_120, %dma_start3A_142] : memref<16x64xf32, #tpu.memory_space<vmem>> -> memref<1x64xf32, #tpu.memory_space<vmem>>
        tpu.enqueue_dma source(%dma_start3A_143 : memref<1x64xf32, #tpu.memory_space<vmem>>) target(%dma_start3A_141 : memref<1x64xf32, #tpu.memory_space<hbm>>) target_semaphore(%arg21 : memref<!tpu.dma_semaphore, #tpu.memory_space<semaphore_mem>>)
        %ge3A = arith.constant 15 : i32
        %ge3A_144 = arith.cmpi sge, %while3A_113, %ge3A : i32
        %convert_element_type3A_145 = arith.extui %ge3A_144 : i1 to i32
        %cond3A_146 = arith.constant 0 : i32
        %cond3A_147 = arith.cmpi ne, %convert_element_type3A_145, %cond3A_146 : i32
        scf.if %cond3A_147 {
          %dma_wait3A = arith.constant 0 : i32
          %dma_wait3A_150 = arith.constant 0 : i32
          %dma_wait3A_151 = tpu.memref_slice %arg13[%dma_wait3A, %dma_wait3A_150] : memref<16x64xf32, #tpu.memory_space<vmem>> -> memref<1x64xf32, #tpu.memory_space<vmem>>
          %dma_wait3A_152 = arith.constant 0 : i32
          %dma_wait3A_153 = arith.constant 0 : i32
          %dma_wait3A_154 = tpu.memref_slice %arg5[%dma_wait3A_152, %dma_wait3A_153] : memref<16384x64xf32, #tpu.memory_space<hbm>> -> memref<1x64xf32, #tpu.memory_space<hbm>>
          %dma_wait3A_155 = arith.constant 0 : i32
          %dma_wait3A_156 = arith.constant 0 : i32
          %dma_wait3A_157 = tpu.memref_slice %arg13[%dma_wait3A_155, %dma_wait3A_156] : memref<16x64xf32, #tpu.memory_space<vmem>> -> memref<1x64xf32, #tpu.memory_space<vmem>>
          %dma_wait3A_158 = arith.constant 0 : i32
          %dma_wait3A_159 = arith.constant 0 : i32
          %dma_wait3A_160 = tpu.memref_slice %arg5[%dma_wait3A_158, %dma_wait3A_159] : memref<16384x64xf32, #tpu.memory_space<hbm>> -> memref<1x64xf32, #tpu.memory_space<hbm>>
          tpu.wait_dma2 semaphore(%arg21 : memref<!tpu.dma_semaphore, #tpu.memory_space<semaphore_mem>>) src(%dma_wait3A_160 : memref<1x64xf32, #tpu.memory_space<hbm>>) dst(%dma_wait3A_157 : memref<1x64xf32, #tpu.memory_space<vmem>>)
        } else {
        }
        %add3A_148 = arith.constant 1 : i32
        %add3A_149 = arith.addi %while3A_113, %add3A_148 : i32
        scf.yield %add3A_149 : i32
      }
      %while3A_110 = arith.constant 1 : i32
      %while3A_111 = scf.for %while3A_112 = %while3A_107 to %while3A_103 step %while3A_110 iter_args(%while3A_113 = %while3A_109) -> (i32)  : i32 {
        %get3A_114 = arith.index_cast %while3A_112 : i32 to index
        %get3A_115 = tpu.vector_load %arg8[%get3A_114] {strides = array<i32>} : memref<16400xi32, #tpu.memory_space<vmem>>, vector<16xi32>,
        %slice3A = vector.extract_strided_slice %get3A_115 {offsets = [0], sizes = [1], strides = [1]} : vector<16xi32> to vector<1xi32>
        %squeeze3A = vector.extract %slice3A[0] : i32 from vector<1xi32>
        %get3A_116 = arith.index_cast %squeeze3A : i32 to index
        %get3A_117 = tpu.vector_load %arg6[%get3A_116] {strides = array<i32>} : memref<16400xi32, #tpu.memory_space<vmem>>, vector<16xi32>,
        %slice3A_118 = vector.extract_strided_slice %get3A_117 {offsets = [0], sizes = [1], strides = [1]} : vector<16xi32> to vector<1xi32>
        %squeeze3A_119 = vector.extract %slice3A_118[0] : i32 from vector<1xi32>
        %and3A = arith.constant 15 : i32
        %and3A_120 = arith.andi %while3A_113, %and3A : i32
        %sub3A = arith.constant 999936 : i32
        %sub3A_121 = arith.subi %squeeze3A_119, %sub3A : i32
        %broadcast_in_dim3A = vector.broadcast %sub3A_121 : i32 to vector<16xi32>
        %gather3A = tpu.vector_load_idx %arg14[%broadcast_in_dim3A, %add3A_34] : memref<64x64xf32, #tpu.memory_space<vmem>>[vector<16xi32>, vector<16xi32>], vector<16xf32>,
        %swap3A = arith.index_cast %and3A_120 : i32 to index
        %swap3A_122 = arith.constant 0 : index
        %swap3A_123 = tpu.vector_load %arg13[%swap3A, %swap3A_122] {strides = array<i32>} : memref<16x64xf32, #tpu.memory_space<vmem>>, vector<16xf32>,
        tpu.vector_store %arg13[%swap3A, %swap3A_122], %gather3A {strides = array<i32>} : memref<16x64xf32, #tpu.memory_space<vmem>>, vector<16xf32>,
        %gather3A_124 = tpu.vector_load_idx %arg14[%broadcast_in_dim3A, %add3A_37] : memref<64x64xf32, #tpu.memory_space<vmem>>[vector<16xi32>, vector<16xi32>], vector<16xf32>,
        %swap3A_125 = arith.index_cast %and3A_120 : i32 to index
        %swap3A_126 = arith.constant 16 : index
        %swap3A_127 = tpu.vector_load %arg13[%swap3A_125, %swap3A_126] {strides = array<i32>} : memref<16x64xf32, #tpu.memory_space<vmem>>, vector<16xf32>,
        tpu.vector_store %arg13[%swap3A_125, %swap3A_126], %gather3A_124 {strides = array<i32>} : memref<16x64xf32, #tpu.memory_space<vmem>>, vector<16xf32>,
        %gather3A_128 = tpu.vector_load_idx %arg14[%broadcast_in_dim3A, %add3A_40] : memref<64x64xf32, #tpu.memory_space<vmem>>[vector<16xi32>, vector<16xi32>], vector<16xf32>,
        %swap3A_129 = arith.index_cast %and3A_120 : i32 to index
        %swap3A_130 = arith.constant 32 : index
        %swap3A_131 = tpu.vector_load %arg13[%swap3A_129, %swap3A_130] {strides = array<i32>} : memref<16x64xf32, #tpu.memory_space<vmem>>, vector<16xf32>,
        tpu.vector_store %arg13[%swap3A_129, %swap3A_130], %gather3A_128 {strides = array<i32>} : memref<16x64xf32, #tpu.memory_space<vmem>>, vector<16xf32>,
        %gather3A_132 = tpu.vector_load_idx %arg14[%broadcast_in_dim3A, %add3A_43] : memref<64x64xf32, #tpu.memory_space<vmem>>[vector<16xi32>, vector<16xi32>], vector<16xf32>,
        %swap3A_133 = arith.index_cast %and3A_120 : i32 to index
        %swap3A_134 = arith.constant 48 : index
        %swap3A_135 = tpu.vector_load %arg13[%swap3A_133, %swap3A_134] {strides = array<i32>} : memref<16x64xf32, #tpu.memory_space<vmem>>, vector<16xf32>,
        tpu.vector_store %arg13[%swap3A_133, %swap3A_134], %gather3A_132 {strides = array<i32>} : memref<16x64xf32, #tpu.memory_space<vmem>>, vector<16xf32>,
        %dma_start3A_136 = arith.constant 0 : i32
        %dma_start3A_137 = tpu.memref_slice %arg13[%and3A_120, %dma_start3A_136] : memref<16x64xf32, #tpu.memory_space<vmem>> -> memref<1x64xf32, #tpu.memory_space<vmem>>
        %dma_start3A_138 = arith.constant 0 : i32
        %dma_start3A_139 = tpu.memref_slice %arg5[%squeeze3A, %dma_start3A_138] : memref<16384x64xf32, #tpu.memory_space<hbm>> -> memref<1x64xf32, #tpu.memory_space<hbm>>
        %dma_start3A_140 = arith.constant 0 : i32
        %dma_start3A_141 = tpu.memref_slice %arg5[%squeeze3A, %dma_start3A_140] : memref<16384x64xf32, #tpu.memory_space<hbm>> -> memref<1x64xf32, #tpu.memory_space<hbm>>
        %dma_start3A_142 = arith.constant 0 : i32
        %dma_start3A_143 = tpu.memref_slice %arg13[%and3A_120, %dma_start3A_142] : memref<16x64xf32, #tpu.memory_space<vmem>> -> memref<1x64xf32, #tpu.memory_space<vmem>>
        tpu.enqueue_dma source(%dma_start3A_143 : memref<1x64xf32, #tpu.memory_space<vmem>>) target(%dma_start3A_141 : memref<1x64xf32, #tpu.memory_space<hbm>>) target_semaphore(%arg21 : memref<!tpu.dma_semaphore, #tpu.memory_space<semaphore_mem>>)
        %ge3A = arith.constant 15 : i32
        %ge3A_144 = arith.cmpi sge, %while3A_113, %ge3A : i32
        %convert_element_type3A_145 = arith.extui %ge3A_144 : i1 to i32
        %cond3A_146 = arith.constant 0 : i32
        %cond3A_147 = arith.cmpi ne, %convert_element_type3A_145, %cond3A_146 : i32
        scf.if %cond3A_147 {
          %dma_wait3A = arith.constant 0 : i32
          %dma_wait3A_150 = arith.constant 0 : i32
          %dma_wait3A_151 = tpu.memref_slice %arg13[%dma_wait3A, %dma_wait3A_150] : memref<16x64xf32, #tpu.memory_space<vmem>> -> memref<1x64xf32, #tpu.memory_space<vmem>>
          %dma_wait3A_152 = arith.constant 0 : i32
          %dma_wait3A_153 = arith.constant 0 : i32
          %dma_wait3A_154 = tpu.memref_slice %arg5[%dma_wait3A_152, %dma_wait3A_153] : memref<16384x64xf32, #tpu.memory_space<hbm>> -> memref<1x64xf32, #tpu.memory_space<hbm>>
          %dma_wait3A_155 = arith.constant 0 : i32
          %dma_wait3A_156 = arith.constant 0 : i32
          %dma_wait3A_157 = tpu.memref_slice %arg13[%dma_wait3A_155, %dma_wait3A_156] : memref<16x64xf32, #tpu.memory_space<vmem>> -> memref<1x64xf32, #tpu.memory_space<vmem>>
          %dma_wait3A_158 = arith.constant 0 : i32
          %dma_wait3A_159 = arith.constant 0 : i32
          %dma_wait3A_160 = tpu.memref_slice %arg5[%dma_wait3A_158, %dma_wait3A_159] : memref<16384x64xf32, #tpu.memory_space<hbm>> -> memref<1x64xf32, #tpu.memory_space<hbm>>
          tpu.wait_dma2 semaphore(%arg21 : memref<!tpu.dma_semaphore, #tpu.memory_space<semaphore_mem>>) src(%dma_wait3A_160 : memref<1x64xf32, #tpu.memory_space<hbm>>) dst(%dma_wait3A_157 : memref<1x64xf32, #tpu.memory_space<vmem>>)
        } else {
        }
        %add3A_148 = arith.constant 1 : i32
        %add3A_149 = arith.addi %while3A_113, %add3A_148 : i32
        scf.yield %add3A_149 : i32
      }
      scf.yield %while3A_111 : i32
    } else {
      scf.yield %scan3A_87 : i32
    }
    %scan3A_91 = arith.constant 0 : i32
    %scan3A_92 = arith.constant 0 : i32
    %scan3A_93 = arith.constant 15 : i32
    %scan3A_94 = arith.addi %scan3A_92, %scan3A_93 : i32
    %scan3A_95 = arith.constant 1 : i32
    scf.for %scan3A_97 = %scan3A_92 to %scan3A_94 step %scan3A_95  : i32 {
      %lt3A = arith.cmpi slt, %scan3A_97, %cond3A_90 : i32
      %convert_element_type3A_98 = arith.extui %lt3A : i1 to i32
      %cond3A_99 = arith.constant 0 : i32
      %cond3A_100 = arith.cmpi ne, %convert_element_type3A_98, %cond3A_99 : i32
      scf.if %cond3A_100 {
        %dma_wait3A = arith.constant 0 : i32
        %dma_wait3A_101 = arith.constant 0 : i32
        %dma_wait3A_102 = tpu.memref_slice %arg13[%dma_wait3A, %dma_wait3A_101] : memref<16x64xf32, #tpu.memory_space<vmem>> -> memref<1x64xf32, #tpu.memory_space<vmem>>
        %dma_wait3A_103 = arith.constant 0 : i32
        %dma_wait3A_104 = arith.constant 0 : i32
        %dma_wait3A_105 = tpu.memref_slice %arg5[%dma_wait3A_103, %dma_wait3A_104] : memref<16384x64xf32, #tpu.memory_space<hbm>> -> memref<1x64xf32, #tpu.memory_space<hbm>>
        %dma_wait3A_106 = arith.constant 0 : i32
        %dma_wait3A_107 = arith.constant 0 : i32
        %dma_wait3A_108 = tpu.memref_slice %arg13[%dma_wait3A_106, %dma_wait3A_107] : memref<16x64xf32, #tpu.memory_space<vmem>> -> memref<1x64xf32, #tpu.memory_space<vmem>>
        %dma_wait3A_109 = arith.constant 0 : i32
        %dma_wait3A_110 = arith.constant 0 : i32
        %dma_wait3A_111 = tpu.memref_slice %arg5[%dma_wait3A_109, %dma_wait3A_110] : memref<16384x64xf32, #tpu.memory_space<hbm>> -> memref<1x64xf32, #tpu.memory_space<hbm>>
        tpu.wait_dma2 semaphore(%arg21 : memref<!tpu.dma_semaphore, #tpu.memory_space<semaphore_mem>>) src(%dma_wait3A_111 : memref<1x64xf32, #tpu.memory_space<hbm>>) dst(%dma_wait3A_108 : memref<1x64xf32, #tpu.memory_space<vmem>>)
      } else {
      }
    }
    %scan3A_96 = arith.constant 15 : i32
    return
  }
}

</mosaic_0001>

<sc_bundles>
// kernel: kernel.3.cloned.1.call-start
scs
__scs_entry_jumppad:
0x0: {  	(pc) =	sbr.rel $0x88, $3  }
0x1: {  	(tag) =	ssettag $0x0;
	lr =	simm.s32 $0x1  }
0x2: {  	[smem:$0x3F9F] =	sst lr;
	_ =	strace $0xD0000000  }
0x3: {  	_ = 	snop  }
0x4: {  	_ = 	snop  }
0x5: {  	_ = 	snop  }
0x6: {  	_ = 	snop  }
0x7: {  	_ = 	snop  }
__scs_overlays_trampoline_lowered:
0x8: {  	[smem:$0x3FAE] =	sst s0  }
0x9: {  	[smem:$0x3FAF] =	sst s1  }
0xa: {  	[smem:$0x3FB0] =	sst s2  }
0xb: {  	[smem:$0x3FB1] =	sst s3  }
0xc: {  	[smem:$0x3FB2] =	sst s4  }
0xd: {  	[smem:$0x3FB3] =	sst s5  }
0xe: {  	[smem:$0x3FB4] =	sst s6  }
0xf: {  	[smem:$0x3FB5] =	sst s7  }
0x10: {  	[smem:$0x3FB6] =	sst s8  }
0x11: {  	[smem:$0x3FB7] =	sst s9;
	s0 =	simm.s32 @!p0 $0x0  }
0x12: {  	s1 =	sld [smem:$0x3F9D];
	s0 =	simm.s32 @p0 $0x1  }
0x13: {  	[smem:$0x3FB8] =	sst s0;
	s0 =	simm.s32 @!p1 $0x0  }
0x14: {  	s2 =	sld [smem:$0x3F9C];
	s0 =	simm.s32 @p1 $0x1  }
0x15: {  	[smem:$0x3FB9] =	sst s0;
	s0 =	simm.s32 @!p2 $0x0  }
0x16: {  	s3 =	sld [smem:$0x3FDB];
	s0 =	simm.s32 @p2 $0x1  }
0x17: {  	s4 =	simm.s32 $0x1BF5;
	[smem:$0x3FBB] =	sst s0  }
0x18: {  	s0 =	sld [smem:$0x3F9E];
	_ =	swait.ge [sflag:s4], $0x0  }
0x19: {  	s7 =	sld [smem:$0x3F9F]  }
0x1a: {  	s8 =	sadd.s32 $0xFFFFE003, lr  }
0x1b: {  	s9 =	sadd.s32 $0xFFFFFEF7, lr;
	s5 =	simm.s32 $0xFFFFFFFF;
	p2 =	slt.u32 s8, $0xFFFFF086  }
0x1c: {  	p1 =	slt.u32 s9, $0xF7A;
	s5 =	simm.s32 @!p2 $0x0  }
0x1d: {  	s5 =	simm.s32 @p1 $0x1;
	p0 =	seq.s32 s7, s2  }
0x1e: {  	s7 =	smul.u32 @!p0 $0xF7A, s2;
	p2 =	seq.s32 @!p0 s5, $0x0  }
0x1f: {  	s9 =	smul.u32 $0xF7A, s1;
	s8 =	simm.s32 @!p0 $0x1BF5;
	p2 =	por !p2, p0  }
0x20: {  	[sflag:s8] =	ssyncset.s32 @!p0 $0xFFFFF086;
	s6 =	sadd.s32 @!p0 s3, s7;
	s7 =	simm.s32 @!p0 $0x108  }
0x21: {  	s3 =	sadd.s32 s3, s9;
	s6 =	sadd.s32 @!p0 $0x88, s6;
	s7 =	simm.s32 @p2 $0x1082  }
0x22: {  	[simem:s7], [sflag:s8] =	dma.local @!p0 [hbm:s6], $0xF7A  }
0x23: {  	s9 =	sor.u32 $0xD0000000, s2;
	s6 =	simm.s32 $0x108;
	_ =	swait.ge @!p0 [sflag:s8], $0x0  }
0x24: {  	s3 =	sadd.s32 $0x88, s3;
	s6 =	simm.s32 @!p1 $0x1082;
	[sflag:s4] =	ssyncset.s32 $0xFFFFF086  }
0x25: {  	[simem:s6], [sflag:s4] =	dma.local [hbm:s3], $0xF7A  }
0x26: {  	[smem:$0x3F9F] =	sst s1;
	(tag) =	ssettag s2;
	_ =	strace s9  }
0x27: {  	s1 =	sld [smem:$0x3FAF]  }
0x28: {  	s2 =	sld [smem:$0x3FB0]  }
0x29: {  	s4 =	sld [smem:$0x3FB2]  }
0x2a: {  	p0 =	seq.s32 s5, $0x0;
	s5 =	sld [smem:$0x3FB3]  }
0x2b: {  	s6 =	sld [smem:$0x3FB4]  }
0x2c: {  	s7 =	sld [smem:$0x3FB5]  }
0x2d: {  	s3 =	simm.s32 $0x108;
	s8 =	sld [smem:$0x3FB6]  }
0x2e: {  	s3 =	simm.s32 @!p0 $0x1082;
	s9 =	sld [smem:$0x3FB7]  }
0x2f: {  	lr =	sadd.s32 s0, s3;
	s0 =	sld [smem:$0x3FAE]  }
0x30: {  	s3 =	sld [smem:$0x3FB1]  }
0x31: {  	[smem:$0x3FBA] =	sst s10  }
0x32: {  	s10 =	sld [smem:$0x3FB8];
	_ =	sdelay $0x3  }
0x33: {  	p0 =	seq.s32 s10, $0x1;
	s10 =	sld [smem:$0x3FBA];
	_ =	sdelay $0x3  }
0x34: {  	[smem:$0x3FBA] =	sst s10  }
0x35: {  	s10 =	sld [smem:$0x3FB9];
	_ =	sdelay $0x3  }
0x36: {  	p1 =	seq.s32 s10, $0x1;
	s10 =	sld [smem:$0x3FBA];
	_ =	sdelay $0x3  }
0x37: {  	[smem:$0x3FBA] =	sst s10  }
0x38: {  	s10 =	sld [smem:$0x3FBB]  }
0x39: {  	_ = 	snop;
	(pc) =	sbr.ind lr, $3  }
0x3a: {  	_ = 	snop  }
0x3b: {  	_ = 	snop  }
0x3c: {  	p2 =	seq.s32 s10, $0x1;
	s10 =	sld [smem:$0x3FBA]  }
0x3d: {  	_ =	shalt  }
0x3e: {  	_ =	shalt  }
0x3f: {  	_ =	shalt  }
0x40: {  	_ =	shalt  }
0x41: {  	_ =	shalt  }
0x42: {  	_ =	shalt  }
0x43: {  	_ =	shalt  }
0x44: {  	_ =	shalt  }
0x45: {  	_ =	shalt  }
0x46: {  	_ =	shalt  }
0x47: {  	_ =	shalt  }
0x48: {  	_ =	shalt  }
0x49: {  	_ =	shalt  }
0x4a: {  	_ =	shalt  }
0x4b: {  	_ =	shalt  }
0x4c: {  	_ =	shalt  }
0x4d: {  	_ =	shalt  }
0x4e: {  	_ =	shalt  }
0x4f: {  	_ =	shalt  }
0x50: {  	_ =	shalt  }
0x51: {  	_ =	shalt  }
0x52: {  	_ =	shalt  }
0x53: {  	_ =	shalt  }
0x54: {  	_ =	shalt  }
0x55: {  	_ =	shalt  }
0x56: {  	_ =	shalt  }
0x57: {  	_ =	shalt  }
0x58: {  	_ =	shalt  }
0x59: {  	_ =	shalt  }
0x5a: {  	_ =	shalt  }
0x5b: {  	_ =	shalt  }
0x5c: {  	_ =	shalt  }
0x5d: {  	_ =	shalt  }
0x5e: {  	_ =	shalt  }
0x5f: {  	_ =	shalt  }
0x60: {  	_ =	shalt  }
0x61: {  	_ =	shalt  }
0x62: {  	_ =	shalt  }
0x63: {  	_ =	shalt  }
0x64: {  	_ =	shalt  }
0x65: {  	_ =	shalt  }
0x66: {  	_ =	shalt  }
0x67: {  	_ =	shalt  }
0x68: {  	_ =	shalt  }
0x69: {  	_ =	shalt  }
0x6a: {  	_ =	shalt  }
0x6b: {  	_ =	shalt  }
0x6c: {  	_ =	shalt  }
0x6d: {  	_ =	shalt  }
0x6e: {  	_ =	shalt  }
0x6f: {  	_ =	shalt  }
0x70: {  	_ =	shalt  }
0x71: {  	_ =	shalt  }
0x72: {  	_ =	shalt  }
0x73: {  	_ =	shalt  }
0x74: {  	_ =	shalt  }
0x75: {  	_ =	shalt  }
0x76: {  	_ =	shalt  }
0x77: {  	_ =	shalt  }
0x78: {  	_ =	shalt  }
0x79: {  	_ =	shalt  }
0x7a: {  	_ =	shalt  }
0x7b: {  	_ =	shalt  }
0x7c: {  	_ =	shalt  }
0x7d: {  	_ =	shalt  }
0x7e: {  	_ =	shalt  }
0x7f: {  	_ =	shalt  }
0x80: {  	_ =	shalt  }
0x81: {  	_ =	shalt  }
0x82: {  	_ =	shalt  }
0x83: {  	_ =	shalt  }
0x84: {  	_ =	shalt  }
0x85: {  	_ =	shalt  }
0x86: {  	_ =	shalt  }
0x87: {  	_ =	shalt  }
.Lfunc_end0:
.L_simem_size_0:
called_computation_lowered:
.L_overlay_start_0:
0x88: {  	s2 =	sld [smem:$0x3FD9]  }
0x89: {  	s3 =	sld [smem:$0x3FFE];
	_ =	sdelay $0x1  }
0x8a: {  	s1 =	srdreg.scid  }
0x8b: {  	s0 =	sand.u32 $0x1, s1  }
0x8c: {  	s17 =	sshll.u32 s0, $0xA;
	s2 =	sadd.s32 s3, s2  }
0x8d: {  	s2 =	sadd.s32 s2, s17  }
0x8e: {  	[smem:$0x3FC6] =	sst s2  }
0x8f: {  	_ = 	snop  }
0x90: {  	s2 =	sld [smem:$0x3FC9]  }
0x91: {  	s18 =	sld [smem:$0x3FC8]  }
0x92: {  	s4 =	sld [smem:$0x3FD0];
	(tm) =	ssettm $0x1  }
0x93: {  	s5 =	sld [smem:$0x3FFB];
	_ =	sdelay $0x3  }
0x94: {  	_ =	strace s5  }
0x95: {  	s5 =	sld [smem:$0x3FFC];
	_ =	sdelay $0x3  }
0x96: {  	_ =	strace s5  }
0x97: {  	s5 =	sld [smem:$0x3FFD];
	_ =	sdelay $0x3  }
0x98: {  	_ =	strace s5  }
0x99: {  	_ =	strace $0x8FFFFFFF  }
0x9a: {  	s19 =	sld [smem:$0x3FDB];
	_ =	sdelay $0x1  }
0x9b: {  	s6 =	simm.s32 $_scs_section_size  }
0x9c: {  	s7 =	simm.s32 $_size__tile_overlayer_lowered;
	s8 =	simm.s32 $_tile_overlayer_lowered  }
0x9d: {  	s22 =	simm.s32 $0x1BFF;
	s21 =	sshll.u32 s8, $0x1;
	s5 =	sadd.s32 s6, s19  }
0x9e: {  	s9 =	simm.s32 $0x0;
	s20 =	sshll.u32 s7, $0x1;
	s7 =	sadd.s32 s21, s5  }
0x9f: {  	[timem:s9], [sflag:s22] =	dma.local [hbm:s7], s20  }
0xa0: {  	_ =	swait.ge [sflag:s22], s20  }
0xa1: {  	s6 =	ssub.s32 $0x0, s20;
	[sflag:s22] =	ssyncset.done $0x0  }
0xa2: {  	[sflag:s22] =	ssyncadd.s32 s6;
	_ =	sdelay $0x1  }
0xa3: {  	s23 =	simm.s32 $0x1B8B  }
0xa4: {  	_ =	swait.ge [sflag:s23], $0x1  }
0xa5: {  	[sflag:s23] =	ssyncset.done $0x0  }
0xa6: {  	s25 =	simm.s32 $0x1B8E;
	s24 =	sld [smem:$0x3FFE];
	[sflag:s23] =	ssyncadd.s32 $0xFFFFFFFF  }
0xa7: {  	s26 =	simm.s32 $execute0_lowered;
	[smem:$0x3FD2] =	sst s25  }
0xa8: {  	s7 =	sshll.u32 s26, $0x1;
	_ =	strace $0x80000046;
	[dreg:$0x1] =	wrdreg $0xFFFFFFFF  }
0xa9: {  	s28 =	simm.s32 $_size_execute0_lowered;
	s5 =	sadd.s32 s5, s7;
	[dreg:$0x0] =	wrdreg $0x0  }
0xaa: {  	s7 =	sshll.u32 s28, $0x1;
	[dreg:$0x2] =	wrdreg s5  }
0xab: {  	[dreg:$0x3] =	wrdreg s7  }
0xac: {  	[dreg:$0x4] =	wrdreg $0xC0  }
0xad: {  	_ =	task [dreg:s9], $0x5FFFF  }
0xae: {  	[dreg:$0x1] =	wrdreg $0xFFFFFFFF  }
0xaf: {  	[dreg:$0x0] =	wrdreg $0x60  }
0xb0: {  	[dreg:$0x2] =	wrdreg s2  }
0xb1: {  	[dreg:$0x3] =	wrdreg s18  }
0xb2: {  	[dreg:$0x4] =	wrdreg s4  }
0xb3: {  	[dreg:$0x5] =	wrdreg s24  }
0xb4: {  	[dreg:$0x6] =	wrdreg $0x9  }
0xb5: {  	_ =	task.clear_ibuf [dreg:s9], $0x7FFFF;
	_ =	strace $0x90000046  }
0xb6: {  	s29 =	simm.s32 $0x9;
	_ =	strace $0x80000048  }
0xb7: {  	_ =	swait.ge [sflag:s29], $0x1  }
0xb8: {  	[sflag:s29] =	ssyncadd.s32 $0xFFFFFFFF  }
0xb9: {  	_ =	strace $0x90000048  }
0xba: {  	_ =	sfence  }
0xbb: {  	s30 =	sld [smem:$0x0];
	_ =	sdelay $0x2  }
0xbc: {  	s31 =	sshll.u32 s1, $0xD;
	s1 =	sshrl.u32 s1, $0x2  }
0xbd: {  	s3 =	sand.u32 $0x4000, s31;
	s1 =	sadd.s32 s1, s30  }
0xbe: {  	s0 =	sor.u32 s3, s0;
	s1 =	sshll.u32 s1, $0x11  }
0xbf: {  	s0 =	sor.u32 s1, s0  }
0xc0: {  	s0 =	sadd.s32 $0x8F2B, s0  }
0xc1: {  	[sflag:s0] =	ssyncadd.remote.s32 $0x1  }
0xc2: {  	_ =	sfence.sel $0xFFFF  }
0xc3: {  	[dreg:$0x0] =	wrdreg $0xFFFFFFFF;
	(pc) =	sbr.abs _section_cstart, $3  }
0xc4: {  	[dreg:$0x1] =	wrdreg $0xFFFFFFFF  }
0xc5: {  	_ =	task.clear_ibuf [dreg:s9], $0x2FFFF;
	_ =	strace $0x9FFFFFFF  }
0xc6: {  	(tm) =	ssettm $0x7FFFFFFF  }
0xc7: {  	_ =	shalt  }
tec
execute0_lowered:
.L_overlay_start_1:
0x0: {  	(tag) =	ssettag $0x1  }
0x1: {  	vm0 =	vcmask $0x300;
	v0 =	vimm.s32 $0xB80;
	vm14 =	vcmask $0x704  }
0x2: {  	vm13 =	vcmask $0xB08;
	vm12 =	vcmask $0xF0C;
	vm11 =	vcmask $0x1310  }
0x3: {  	vm10 =	vcmask $0x1714;
	vm9 =	vcmask $0x1B18;
	vm8 =	vcmask $0x1F1C  }
0x4: {  	vm7 =	vcmask $0x2320;
	vm6 =	vcmask $0x2724;
	vm5 =	vcmask $0x2B28  }
0x5: {  	vm4 =	vcmask $0x2F2C;
	vm3 =	vcmask $0x3330;
	vm2 =	vcmask $0x3734  }
0x6: {  	vm1 =	vcmask $0x3B38;
	v4 =	vimm.s32 $0x0;
	v6 =	vimm.s32 $0x1B80  }
0x7: {  	v7 =	vimm.s32 $0x2B80;
	v8 =	vimm.s32 $0x3B80;
	v0 =	vsel vm0, $0x0, v0  }
0x8: {  	v6 =	vsel vm0, $0x1000, v6;
	v7 =	vsel vm0, $0x2000, v7;
	v8 =	vsel vm0, $0x3000, v8  }
0x9: {  	v0 =	vsel vm14, $0x80, v0;
	v6 =	vsel vm14, $0x1080, v6;
	v7 =	vsel vm14, $0x2080, v7  }
0xa: {  	v8 =	vsel vm14, $0x3080, v8;
	v0 =	vsel vm13, $0x100, v0;
	v6 =	vsel vm13, $0x1100, v6  }
0xb: {  	v7 =	vsel vm13, $0x2100, v7;
	v8 =	vsel vm13, $0x3100, v8;
	v0 =	vsel vm12, $0x180, v0  }
0xc: {  	v6 =	vsel vm12, $0x1180, v6;
	v7 =	vsel vm12, $0x2180, v7;
	v8 =	vsel vm12, $0x3180, v8  }
0xd: {  	v0 =	vsel vm11, $0x200, v0;
	v6 =	vsel vm11, $0x1200, v6;
	v7 =	vsel vm11, $0x2200, v7  }
0xe: {  	s0 =	srdreg.scid;
	s1 =	stileid.u32;
	v8 =	vsel vm11, $0x3200, v8;
	v0 =	vsel vm10, $0x280, v0;
	v6 =	vsel vm10, $0x1280, v6  }
0xf: {  	s5 =	simm.s32 $0xF4200;
	s28 =	rddreg [dreg:$0x3];
	s14 =	simm.s32 $0x7A1400;
	v7 =	vsel vm10, $0x2280, v7;
	v8 =	vsel vm10, $0x3280, v8;
	v0 =	vsel vm9, $0x300, v0  }
0x10: {  	s7 =	simm.s32 $0x0;
	s15 =	simm.s32 $0x800;
	s16 =	simm.s32 $0xC180;
	v6 =	vsel vm9, $0x1300, v6;
	v7 =	vsel vm9, $0x2300, v7;
	v8 =	vsel vm9, $0x3300, v8  }
0x11: {  	s17 =	simm.s32 $0x10180;
	s3 =	sand.u32 $0x1, s0;
	s26 =	sshll.u32 s1, $0x1;
	v0 =	vsel vm8, $0x380, v0;
	v6 =	vsel vm8, $0x1380, v6;
	v7 =	vsel vm8, $0x2380, v7  }
0x12: {  	s18 =	simm.s32 $0x14180;
	s19 =	simm.s32 $0x6;
	s0 =	sor.u32 s3, s26;
	v8 =	vsel vm8, $0x3380, v8;
	v0 =	vsel vm7, $0x800, v0;
	v6 =	vsel vm7, $0x1800, v6  }
0x13: {  	s1 =	simm.s32 $0x7C;
	p0 =	seq.s32 s0, $0x1F;
	s2 =	smul.u32 $0x7A00, s0;
	v7 =	vsel vm7, $0x2800, v7;
	v8 =	vsel vm7, $0x3800, v8;
	v0 =	vsel vm6, $0x880, v0  }
0x14: {  	s20 =	simm.s32 $0x4080;
	s21 =	simm.s32 $0x8100;
	s1 =	simm.s32 @!p0 $0x7A;
	v6 =	vsel vm6, $0x1880, v6;
	v7 =	vsel vm6, $0x2880, v7;
	v8 =	vsel vm6, $0x3880, v8  }
0x15: {  	s22 =	simm.s32 $0x18180;
	s23 =	simm.s32 $0x1C980;
	s4 =	sshll.u32 s1, $0x8;
	v1 =	vsel vm5, $0x900, v0;
	v0 =	vmov s2;
	v6 =	vsel vm5, $0x1900, v6  }
0x16: {  	s25 =	simm.s32 $0x0;
	s3 =	ssub.s32 $0x2, s3;
	s4 =	sadd.s32 s2, s4;
	v7 =	vsel vm5, $0x2900, v7;
	v8 =	vsel vm5, $0x3900, v8;
	v2 =	vsel vm4, $0x980, v1  }
0x17: {  	s8 =	smul.u32 $0x3D000, s0;
	p2 =	sne.s32 s0, $0x1F;
	s5 =	simm.s32 @!p0 $0x7FFFFFFF;
	v1 =	vmov s4;
	v6 =	vsel vm4, $0x1980, v6;
	v7 =	vsel vm4, $0x2980, v7  }
0x18: {  	[smem:$0x7FF] =	sst s7;
	s29 =	sshrl.u32 s3, $0x1;
	s0 =	simm.s32 @!p2 $0x0;
	v8 =	vsel vm4, $0x3980, v8;
	v3 =	vsel vm3, $0xA00, v2;
	v2 =	vmov s5  }
.Ltmp0:
0x19: {  	s6 =	sshrl.u32 s8, $0x3;
	s4 =	rddreg [dreg:$0x1];
	v6 =	vsel vm3, $0x1A00, v6;
	v7 =	vsel vm3, $0x2A00, v7;
	v8 =	vsel vm3, $0x3A00, v8;
	(pc) =	sbr.rel .LBB2_1-.Ltmp0, $4  }
0x1a: {  	s0 =	simm.s32 @p2 $0x1;
	_ =	strace $0x80000047;
	s10 =	sadd.s32 s4, s2;
	v5 =	vsel vm2, $0xA80, v3;
	v3 =	vlaneseq.u32;
	v6 =	vsel vm2, $0x1A80, v6  }
0x1b: {  	[smem:$0x7FD] =	sst s0;
	s31 =	sadd.s32 s4, s6;
	s30 =	sadd.s32 $0x100, s10;
	v7 =	vsel vm2, $0x2A80, v7;
	v8 =	vsel vm2, $0x3A80, v8;
	v5 =	vsel vm1, $0xB00, v5  }
0x1c: {  	s3 =	ssub.s32 s3, s29;
	s5 =	sadd.s32 $0x200, s31;
	[dreg:$0x5] =	wrdreg s30;
	v6 =	vsel vm1, $0x1B00, v6;
	v7 =	vsel vm1, $0x2B00, v7;
	v8 =	vsel vm1, $0x3B00, v8  }
0x1d: {  	s9 =	sadd.s32 $0x400, s28;
	s13 =	smax.u32 s3, $0x1;
	[dreg:$0x6] =	wrdreg s5;
	v9 =	vor.u32 $0x10, v3;
	v10 =	vor.u32 $0x20, v3;
	v11 =	vor.u32 $0x30, v3  }
.LBB2_63:
0x1e: {  	s25 =	sadd.s32 $0x1, s25  }
0x1f: {  	p0 =	sne.s32 s25, s13  }
.Ltmp1:
0x20: {  	_ = 	snop;
	(pc) =	sbr.rel @!p0 .LBB2_64-.Ltmp1, $1  }
0x21: {  	_ =	sdelay $0x3  }
.LBB2_1:
0x22: {  	[tilespmem:s16], [sflag:$0x1] =	stream.strided.gather [hbm4b:s10+s15], $0x4000, s14, s15, $0x38;
	[tilespmem:$0x1E980] =	vst v63  }
0x23: {  	s0 =	rddreg [dreg:$0x5]  }
0x24: {  	[tilespmem:s17], [sflag:$0x2] =	stream.strided.gather [hbm4b:s0+s15], $0x4000, s14, s15, $0x38;
	[tilespmem:$0x1E980] =	vst v63  }
0x25: {  	s30 =	rddreg [dreg:$0x6]  }
0x26: {  	[tilespmem:s18], [sflag:$0x3] =	stream.strided.gather [hbm4b:s30+s15], $0x4000, s14, s15, $0x38;
	[tilespmem:$0x1E980] =	vst v63  }
0x27: {  	s31 =	rddreg [dreg:$0x0];
	p1 =	por $0x0, $0x0  }
0x28: {  	[tilespmem:s7], [sflag:$0x6] =	stream.linear.gather [hbm4b:s31+s7], $0x4000, $0x38;
	[tilespmem:$0x1E980] =	vst v63  }
.Ltmp2:
0x29: {  	_ = 	snop;
	(pc) =	sbr.rel @p1 .LBB2_2-.Ltmp2, $4  }
0x2a: {  	_ =	swait.ge [sflag:s19], $0x4000  }
0x2b: {  	[sflag:s19] =	ssyncset.done $0x0  }
0x2c: {  	[sflag:s19] =	ssyncadd.s32 $0xFFFFC000  }
0x2d: {  	p0 =	por $0x0, $0x0;
	s0 =	simm.s32 $0x10;
	v12 =	vld [tilespmem:s7+$0x0]  }
0x2e: {  	_ =	sdelay $0x3  }
0x2f: {  	vm1 =	vge.s32 v12, v0;
	vm2 =	vlt.s32 v12, v1  }
0x30: {  	vm1 =	vmand vm1, vm2;
	vm2 =	vge.s32 v12, v2  }
0x31: {  	vm1 =	vmor vm2, vm1  }
0x32: {  	v12 =	vsel vm1, $0x1, v4  }
0x33: {  	(xrf0) =	vadd.scan.msk.s32 $0xffff, v12;
	_ =	sdelay $0x2  }
0x34: {  	v12 =	vmov s7  }
0x35: {  	v12 =	vadd.s32 $0xFFFFFFFF, v12  }
0x36: {  	v12 =	vbroadcast v12, $0x0  }
0x37: {  	v13, _, _ =	vpop (xrf0)  }
0x38: {  	v12 =	vadd.s32 v13, v12;
	(v2sf) =	vpush v13, $0xF  }
0x39: {  	v12 =	vnsel vm1, $0x4000, v12  }
0x3a: {  	p1 =	por $0x0, $0x0  }
.Ltmp3:
0x3b: {  	_ = 	snop;
	(pc) =	sbr.rel @p1 .LBB2_4-.Ltmp3, $4  }
0x3c: {  	_ = 	snop  }
0x3d: {  	v14 =	vor.u32 s7, v3  }
0x3e: {  	s5 =	simm.s32 $0x20;
	[tilespmem:v12+s20+$0x0] =	vst.idx.msk $0xffff, v14  }
0x3f: {  	p0 =	por $0x1, $0x1;
	s3 =	simm.s32 $0x0;
	s6 =	simm.s32 $0x10;
	v12 =	vld [tilespmem:s0+$0x0]  }
.LBB2_5:
0x40: {  	p1 =	seq.s32 s5, $0x3FF0;
	_ =	sdelay $0x3  }
0x41: {  	vm1 =	vge.s32 v12, v0;
	vm2 =	vlt.s32 v12, v1  }
0x42: {  	vm1 =	vmand vm1, vm2;
	vm2 =	vge.s32 v12, v2  }
0x43: {  	vm1 =	vmor vm2, vm1  }
0x44: {  	v12 =	vsel vm1, $0x1, v4;
	s26 =	spop (v2sf)  }
0x45: {  	(xrf0) =	vadd.scan.msk.s32 $0xffff, v12;
	s3 =	sadd.s32 s3, s26  }
0x46: {  	v12 =	vmov s3  }
0x47: {  	v12 =	vadd.s32 $0xFFFFFFFF, v12  }
0x48: {  	v12 =	vbroadcast v12, $0x0;
	_ =	sdelay $0x2  }
0x49: {  	v13, _, _ =	vpop (xrf0)  }
0x4a: {  	v12 =	vadd.s32 v13, v12;
	(v2sf) =	vpush v13, $0xF  }
0x4b: {  	v12 =	vnsel vm1, $0x4000, v12;
	_ =	sdelay $0x1  }
.Ltmp4:
0x4c: {  	(pc) =	sbr.rel @!p1 .LBB2_5-.Ltmp4, $4  }
0x4d: {  	_ = 	snop  }
0x4e: {  	v13 =	vor.u32 s0, v3;
	s0 =	smov.u32 s5  }
0x4f: {  	s6 =	sadd.s32 $0x10, s6;
	[tilespmem:v12+s20+$0x0] =	vst.idx.msk $0xffff, v13  }
0x50: {  	s5 =	sadd.s32 $0x10, s5;
	v12 =	vld [tilespmem:s6+$0x0]  }
.LBB2_6:
0x51: {  	_ =	sdelay $0x3  }
0x52: {  	vm1 =	vge.s32 v12, v0;
	vm2 =	vlt.s32 v12, v1  }
0x53: {  	vm1 =	vmand vm1, vm2;
	vm2 =	vge.s32 v12, v2  }
0x54: {  	vm1 =	vmor vm2, vm1  }
0x55: {  	v62 =	vsel vm1, $0x1, v4  }
0x56: {  	(xrf0) =	vadd.scan.msk.s32 $0xffff, v62;
	_ =	sdelay $0x5  }
0x57: {  	v12, _, _ =	vpop (xrf0)  }
0x58: {  	(v2sf) =	vpush v12, $0xF;
	_ =	sdelay $0x2  }
0x59: {  	s5 =	spop @p0 (v2sf)  }
0x5a: {  	s3 =	sadd.s32 @p0 s3, s5;
	s5 =	simm.s32 $0x0  }
0x5b: {  	s5 =	smov.u32 @p0 s3  }
0x5c: {  	v13 =	vmov s5  }
0x5d: {  	v13 =	vadd.s32 $0xFFFFFFFF, v13  }
0x5e: {  	v13 =	vbroadcast v13, $0x0;
	_ =	sdelay $0x1  }
0x5f: {  	v12 =	vadd.s32 v12, v13  }
0x60: {  	v12 =	vnsel vm1, $0x4000, v12;
	_ =	sdelay $0x3  }
0x61: {  	v63 =	vor.u32 s0, v3;
	s31 =	spop (v2sf)  }
0x62: {  	s0 =	simm.s32 $0x4;
	s3 =	simm.s32 $0x0;
	[tilespmem:v12+s20+$0x0] =	vst.idx.msk $0xffff, v63;
	s26 =	sadd.s32 s5, s31  }
.LBB2_7:
0x63: {  	p0 =	seq.s32 s0, $0x1F4  }
0x64: {  	[smem:s3] =	sst s7;
	s3 =	smov.u32 s0;
	s0 =	sadd.s32 $0x4, s0  }
.Ltmp5:
0x65: {  	(pc) =	sbr.rel @!p0 .LBB2_7-.Ltmp5, $2  }
0x66: {  	_ =	sdelay $0x2  }
0x67: {  	s3 =	sshra.s32 s3, $0x2  }
0x68: {  	p1 =	slt.s32 s26, $0x1  }
.Ltmp6:
0x69: {  	_ = 	snop;
	(pc) =	sbr.rel @p1 .LBB2_28-.Ltmp6, $2  }
0x6a: {  	_ =	sdelay $0x2  }
0x6b: {  	[smem:s3] =	sst s7  }
0x6c: {  	s0 =	simm.s32 @!p1 $0x0;
	s31 =	simm.s32 $0x4080;
	s3 =	simm.s32 $0x4081  }
0x6d: {  	p0 =	por $0x0, $0x0;
	s0 =	simm.s32 @p1 $0x1;
	v12 =	vld [tilespmem:s31+$0x0];
	p1 =	seq.s32 s26, $0x1  }
.Ltmp7:
0x6e: {  	p2 =	por $0x0, $0x0;
	s5 =	simm.s32 @!p0 $0x0;
	(pc) =	sbr.rel @p1 .LBB2_10-.Ltmp7, $4  }
0x6f: {  	p3 =	por $0x0, $0x0;
	s5 =	simm.s32 @p0 $0x1;
	p0 =	por $0x0, $0x0  }
0x70: {  	p4 =	por $0x0, $0x0;
	[smem:$0x7FA] =	sst s5;
	s5 =	simm.s32 @!p0 $0x0  }
0x71: {  	p5 =	por $0x0, $0x0;
	[smem:$0x7FC] =	sst s0;
	s5 =	simm.s32 @p0 $0x1  }
0x72: {  	p6 =	por $0x0, $0x0;
	s0 =	sadd.s32 $0xFFFFFFFF, s26;
	[smem:$0x7FB] =	sst s5;
	(v2sf) =	vpush v12, $0x0  }
0x73: {  	v12 =	vld [tilespmem:s3+$0x0];
	p1 =	seq.s32 s0, $0x1  }
.Ltmp8:
0x74: {  	_ = 	snop;
	(pc) =	sbr.rel @p1 .LBB2_12-.Ltmp8, $2  }
0x75: {  	_ =	sdelay $0x2  }
0x76: {  	s0 =	sadd.s32 $0xFFFFFFFF, s0;
	s3 =	simm.s32 $0x4082;
	p2 =	por $0x1, $0x1;
	(v2sf) =	vpush v12, $0x0  }
0x77: {  	v12 =	vld [tilespmem:s3+$0x0];
	p1 =	seq.s32 s0, $0x1  }
.Ltmp9:
0x78: {  	_ = 	snop;
	(pc) =	sbr.rel @p1 .LBB2_14-.Ltmp9, $2  }
0x79: {  	_ =	sdelay $0x2  }
0x7a: {  	s0 =	sadd.s32 $0xFFFFFFFF, s0;
	s3 =	simm.s32 $0x4083;
	p3 =	por $0x1, $0x1;
	(v2sf) =	vpush v12, $0x0  }
0x7b: {  	v12 =	vld [tilespmem:s3+$0x0];
	p1 =	seq.s32 s0, $0x1  }
.Ltmp10:
0x7c: {  	_ = 	snop;
	(pc) =	sbr.rel @p1 .LBB2_16-.Ltmp10, $3  }
0x7d: {  	_ =	sdelay $0x1  }
0x7e: {  	s31 =	spop (v2sf)  }
0x7f: {  	s0 =	sadd.s32 $0xFFFFFFFF, s0;
	s3 =	simm.s32 $0x4084;
	p4 =	por $0x1, $0x1;
	v13 =	vld [tilespmem:s31+$0x0];
	(v2sf) =	vpush v12, $0x0  }
0x80: {  	v12 =	vld [tilespmem:s3+$0x0];
	p1 =	seq.s32 s0, $0x1  }
.Ltmp11:
0x81: {  	_ = 	snop;
	(pc) =	sbr.rel @p1 .LBB2_18-.Ltmp11, $3  }
0x82: {  	_ =	sdelay $0x1  }
0x83: {  	s31 =	spop (v2sf);
	(v2sf) =	vpush v13, $0x0  }
0x84: {  	s0 =	sadd.s32 $0xFFFFFFFF, s0;
	s3 =	simm.s32 $0x4085;
	p5 =	por $0x1, $0x1;
	v13 =	vld [tilespmem:s31+$0x0];
	(v2sf) =	vpush v12, $0x0  }
0x85: {  	v14 =	vld [tilespmem:s3+$0x0];
	_ =	sdelay $0x3  }
0x86: {  	(v2sf) =	vpush v13, $0x0  }
0x87: {  	(v2sf) =	vpush v14, $0x0;
	_ =	sdelay $0x7  }
0x88: {  	p1 =	seq.s32 s0, $0x1  }
.Ltmp12:
0x89: {  	_ = 	snop;
	(pc) =	sbr.rel @p1 .LBB2_20-.Ltmp12, $3  }
0x8a: {  	_ =	sdelay $0x1  }
0x8b: {  	s31 =	spop (v2sf)  }
0x8c: {  	s0 =	sadd.s32 $0xFFFFFFFF, s0;
	s3 =	simm.s32 $0x4086;
	p6 =	por $0x1, $0x1;
	v12 =	vld [tilespmem:s31+$0x0]  }
0x8d: {  	v13 =	vld [tilespmem:s3+$0x0];
	_ =	sdelay $0x3  }
0x8e: {  	s31 =	spop (v2sf);
	(v2sf) =	vpush v12, $0x0  }
0x8f: {  	(v2sf) =	vpush v13, $0x0;
	_ =	sdelay $0x2  }
0x90: {  	p1 =	seq.s32 s0, $0x1  }
.Ltmp13:
0x91: {  	_ = 	snop;
	(pc) =	sbr.rel @p1 .LBB2_22-.Ltmp13, $4  }
0x92: {  	p0 =	por $0x1, $0x1  }
0x93: {  	s5 =	simm.s32 @!p0 $0x0  }
0x94: {  	s3 =	sadd.s32 $0xFFFFFFFF, s0;
	s5 =	simm.s32 @p0 $0x1  }
0x95: {  	s0 =	simm.s32 $0x4087;
	v14 =	vld [tilespmem:s31+$0x0];
	s6 =	spop (v2sf);
	[smem:$0x7FA] =	sst s5  }
0x96: {  	_ =	sdelay $0x2  }
0x97: {  	v15 =	vld [tilespmem:s0+$0x0]  }
0x98: {  	(v2sf) =	vpush v14, $0x0;
	_ =	sdelay $0x3  }
0x99: {  	(v2sf) =	vpush v15, $0x0;
	_ =	sdelay $0x2  }
0x9a: {  	p1 =	seq.s32 s3, $0x1  }
.Ltmp14:
0x9b: {  	s31 =	ssub.s32 s6, s2;
	(pc) =	sbr.rel @p1 .LBB2_24-.Ltmp14, $4  }
0x9c: {  	s28 =	spop (v2sf);
	p0 =	por $0x1, $0x1;
	s0 =	sshrl.u32 s31, $0x8  }
0x9d: {  	s5 =	sadd.s32 $0xFFFFFFFF, s3;
	v13 =	vld [tilespmem:s28+$0x0];
	s11 =	simm.s32 @!p0 $0x0;
	s3 =	sld [smem:s0+$0x0]  }
0x9e: {  	s11 =	simm.s32 @p0 $0x1  }
0x9f: {  	s29 =	simm.s32 $0x4088;
	s28 =	spop (v2sf);
	[smem:$0x7FB] =	sst s11  }
.LBB2_25:
0xa0: {  	v15 =	vld [tilespmem:s29+$0x0];
	s28 =	ssub.s32 s28, s2;
	s3 =	sadd.s32 $0x1, s3;
	p1 =	seq.s32 s5, $0x1  }
.Ltmp15:
0xa1: {  	s5 =	sadd.s32 $0xFFFFFFFF, s5;
	[smem:s0] =	sst s3;
	(pc) =	sbr.rel @!p1 .LBB2_25-.Ltmp15, $3  }
0xa2: {  	s0 =	sshrl.u32 s28, $0x8;
	s3 =	spop (v2sf);
	(v2sf) =	vpush v13, $0x0  }
0xa3: {  	v13 =	vld [tilespmem:s3+$0x0];
	s3 =	sld [smem:s0+$0x0];
	_ =	sdelay $0x2  }
0xa4: {  	s29 =	sadd.s32 $0x1, s29;
	(v2sf) =	vpush v15, $0x0;
	s28 =	spop (v2sf)  }
0xa5: {  	_ = 	snop  }
.LBB2_27:
0xa6: {  	s5 =	sld [smem:$0x7FA]  }
0xa7: {  	s11 =	sld [smem:$0x7FB];
	_ =	sdelay $0x2  }
0xa8: {  	p1 =	seq.s32 s5, $0x1;
	p0 =	seq.s32 s11, $0x1  }
0xa9: {  	s5 =	ssub.s32 @p1 s28, s2;
	s3 =	sadd.s32 @p0 $0x1, s3;
	s28 =	spop @p3 (v2sf)  }
0xaa: {  	(v2sf) =	vpush @p4 v13, $0x0;
	[smem:s0] =	sst @p0 s3;
	s0 =	sshrl.u32 @p1 s5, $0x8;
	v13 =	vld @p3 [tilespmem:s28+$0x0]  }
0xab: {  	s3 =	sld @p1 [smem:s0+$0x0];
	_ =	sdelay $0x1  }
0xac: {  	s5 =	spop @p6 (v2sf)  }
0xad: {  	s6 =	smov.u32 @p6 s5;
	s0 =	smov.u32 @p1 s0;
	s3 =	smov.u32 @p1 s3  }
0xae: {  	s5 =	ssub.s32 @p6 s6, s2;
	s6 =	spop @p2 (v2sf);
	v13 =	vpsel p3, v13, v14;
	s3 =	sadd.s32 @p1 $0x1, s3  }
0xaf: {  	[smem:s0] =	sst @p1 s3;
	(v2sf) =	vpush @p3 v13, $0x0;
	s0 =	sshrl.u32 @p6 s5, $0x8;
	v13 =	vld @p2 [tilespmem:s6+$0x0]  }
0xb0: {  	s3 =	sld @p6 [smem:s0+$0x0];
	_ =	sdelay $0x1  }
0xb1: {  	s5 =	spop @p5 (v2sf)  }
0xb2: {  	s5 =	smov.u32 @p5 s5;
	s3 =	smov.u32 @p6 s3  }
0xb3: {  	s0 =	smov.u32 @p6 s0;
	s5 =	ssub.s32 @p5 s5, s2;
	v12 =	vpsel p2, v13, v12;
	s3 =	sadd.s32 @p6 $0x1, s3  }
0xb4: {  	[smem:s0] =	sst @p6 s3;
	(v2sf) =	vpush @p2 v12, $0x0;
	s0 =	sshrl.u32 @p5 s5, $0x8  }
0xb5: {  	s24 =	spop (v2sf);
	s5 =	sld @p5 [smem:s0+$0x0]  }
0xb6: {  	v63 =	vld [tilespmem:s24+$0x0]  }
0xb7: {  	s3 =	spop @p4 (v2sf)  }
0xb8: {  	s3 =	smov.u32 @p4 s3;
	s5 =	smov.u32 @p5 s5  }
0xb9: {  	s0 =	smov.u32 @p5 s0;
	s3 =	ssub.s32 @p4 s3, s2;
	s5 =	sadd.s32 @p5 $0x1, s5  }
0xba: {  	[smem:s0] =	sst @p5 s5;
	s0 =	sshrl.u32 @p4 s3, $0x8  }
0xbb: {  	(v2sf) =	vpush v63, $0x0;
	s3 =	sld @p4 [smem:s0+$0x0];
	_ =	sdelay $0x1  }
0xbc: {  	s5 =	spop @p3 (v2sf)  }
0xbd: {  	s5 =	smov.u32 @p3 s5;
	s3 =	smov.u32 @p4 s3  }
0xbe: {  	s0 =	smov.u32 @p4 s0;
	s5 =	ssub.s32 @p3 s5, s2;
	s3 =	sadd.s32 @p4 $0x1, s3  }
0xbf: {  	[smem:s0] =	sst @p4 s3;
	s0 =	sshrl.u32 @p3 s5, $0x8  }
0xc0: {  	s3 =	sld @p3 [smem:s0+$0x0];
	_ =	sdelay $0x1  }
0xc1: {  	s5 =	spop @p2 (v2sf)  }
0xc2: {  	s5 =	smov.u32 @p2 s5;
	s3 =	smov.u32 @p3 s3  }
0xc3: {  	s0 =	smov.u32 @p3 s0;
	s5 =	ssub.s32 @p2 s5, s2;
	s3 =	sadd.s32 @p3 $0x1, s3  }
0xc4: {  	[smem:s0] =	sst @p3 s3;
	s0 =	sshrl.u32 @p2 s5, $0x8  }
0xc5: {  	s3 =	sld @p2 [smem:s0+$0x0];
	_ =	sdelay $0x2  }
0xc6: {  	s30 =	sld [smem:$0x7FD];
	s28 =	spop (v2sf);
	s3 =	smov.u32 @p2 s3  }
0xc7: {  	s5 =	ssub.s32 s28, s2;
	s0 =	smov.u32 @p2 s0;
	s3 =	sadd.s32 @p2 $0x1, s3  }
0xc8: {  	s29 =	sshrl.u32 s5, $0x8;
	[smem:s0] =	sst @p2 s3  }
0xc9: {  	s3 =	sld [smem:s29+$0x0]  }
0xca: {  	s31 =	sld [smem:$0x7FC];
	_ =	sdelay $0x1  }
0xcb: {  	s3 =	sadd.s32 $0x1, s3  }
0xcc: {  	p1 =	seq.s32 s31, $0x1;
	p2 =	seq.s32 s30, $0x1;
	[smem:s29] =	sst s3  }
.LBB2_28:
0xcd: {  	s0 =	simm.s32 $0x0  }
0xce: {  	[smem:$0x80] =	sst s0  }
0xcf: {  	s6 =	simm.s32 $0x0;
	s5 =	sld [smem:$0x0]  }
0xd0: {  	s3 =	simm.s32 $0x4;
	[smem:s6] =	sst s0  }
.LBB2_29:
0xd1: {  	_ = 	snop  }
0xd2: {  	p0 =	seq.s32 s3, $0x1F4;
	s0 =	sadd.s32 s0, s5  }
.Ltmp16:
0xd3: {  	s5 =	smov.u32 s3;
	s3 =	sadd.s32 $0x4, s3;
	(pc) =	sbr.rel @!p0 .LBB2_29-.Ltmp16, $4  }
0xd4: {  	s6 =	sshra.s32 s5, $0x2  }
0xd5: {  	[smem:s6+$0x80] =	sst s0  }
0xd6: {  	s5 =	sld [smem:s6+$0x0]  }
0xd7: {  	[smem:s6] =	sst s0  }
.Ltmp17:
0xd8: {  	(pc) =	sbr.rel @p1 .LBB2_34-.Ltmp17, $1  }
0xd9: {  	_ =	sdelay $0x3  }
0xda: {  	p0 =	sne.s32 s26, $0x1  }
.Ltmp18:
0xdb: {  	_ = 	snop;
	(pc) =	sbr.rel @!p0 .LBB2_33-.Ltmp18, $3  }
0xdc: {  	_ =	sdelay $0x1  }
0xdd: {  	s0 =	simm.s32 $0x4080  }
0xde: {  	s3 =	sadd.s32 $0xFFFFFFFF, s26;
	v12 =	vld [tilespmem:s0+$0x0]  }
.LBB2_32:
0xdf: {  	p0 =	sne.s32 s3, $0x1;
	_ =	sdelay $0x3  }
0xe0: {  	(v2sf) =	vpush v12, $0x0;
	_ =	sdelay $0xe  }
0xe1: {  	s5 =	spop (v2sf)  }
0xe2: {  	v13 =	vld [tilespmem:s5+$0x0];
	_ =	sdelay $0x4  }
0xe3: {  	(v2sf) =	vpush v13, $0x0;
	_ =	sdelay $0xe  }
0xe4: {  	s5 =	spop (v2sf)  }
0xe5: {  	s5 =	ssub.s32 s5, s2  }
0xe6: {  	s5 =	sshrl.u32 s5, $0x8  }
0xe7: {  	s6 =	sld [smem:s5+$0x0];
	_ =	sdelay $0x2  }
0xe8: {  	s26 =	sadd.s32 $0x1, s6;
	v13 =	vmov s6  }
0xe9: {  	[smem:s5] =	sst s26;
	v13 =	vnsel vm0, $0x4000, v13;
	_ =	sdelay $0x1  }
.Ltmp19:
0xea: {  	(pc) =	sbr.rel @p0 .LBB2_32-.Ltmp19, $3  }
0xeb: {  	v12 =	vbroadcast v12, $0x0;
	_ =	sdelay $0x1  }
0xec: {  	s0 =	sadd.s32 $0x1, s0;
	[tilespmem:v13+s21+$0x0] =	vst.idx.msk $0xffff, v12  }
0xed: {  	s3 =	sadd.s32 $0xFFFFFFFF, s3;
	v12 =	vld [tilespmem:s0+$0x0]  }
.LBB2_33:
0xee: {  	_ =	sdelay $0x3  }
0xef: {  	(v2sf) =	vpush v12, $0x0;
	_ =	sdelay $0xe  }
0xf0: {  	s0 =	spop (v2sf)  }
0xf1: {  	v13 =	vld [tilespmem:s0+$0x0];
	_ =	sdelay $0x4  }
0xf2: {  	(v2sf) =	vpush v13, $0x0;
	_ =	sdelay $0xe  }
0xf3: {  	s31 =	spop (v2sf)  }
0xf4: {  	s0 =	ssub.s32 s31, s2  }
0xf5: {  	s0 =	sshrl.u32 s0, $0x8  }
0xf6: {  	s3 =	sld [smem:s0+$0x0];
	_ =	sdelay $0x2  }
0xf7: {  	v62 =	vmov s3  }
0xf8: {  	v13 =	vnsel vm0, $0x4000, v62;
	_ =	sdelay $0x2  }
0xf9: {  	v63 =	vbroadcast v12, $0x0  }
0xfa: {  	s3 =	sadd.s32 $0x1, s3  }
0xfb: {  	[smem:s0] =	sst s3;
	[tilespmem:v13+s21+$0x0] =	vst.idx.msk $0xffff, v63  }
.LBB2_34:
.Ltmp20:
0xfc: {  	(pc) =	sbr.rel .LBB2_35-.Ltmp20, $2  }
0xfd: {  	_ =	sdelay $0x2  }
0xfe: {  	s29 =	simm.s32 $0x0;
	s26 =	simm.s32 $0x0  }
.LBB2_51:
0xff: {  	s30 =	smov.u32 @p0 s30  }
0x100: {  	s29 =	smov.u32 s30  }
.LBB2_55:
0x101: {  	s26 =	sadd.s32 $0x1, s26  }
0x102: {  	p0 =	sne.s32 s26, $0x1F  }
.Ltmp21:
0x103: {  	_ = 	snop;
	(pc) =	sbr.rel @!p0 .LBB2_56-.Ltmp21, $1  }
0x104: {  	_ =	sdelay $0x3  }
.LBB2_35:
0x105: {  	s28 =	sshll.u32 s26, $0x2  }
0x106: {  	p0 =	sge.u32 s28, s1  }
0x107: {  	s0 =	sor.u32 @!p0 $0x3, s28  }
0x108: {  	s3 =	simm.s32 @!p0 $0x1;
	p1 =	sge.u32 @!p0 s0, s1  }
0x109: {  	_ =	swait.ge @!p0 [sflag:s3], $0x4000;
	p1 =	por p1, p0  }
0x10a: {  	[sflag:s3] =	ssyncset.done @!p0 $0x0;
	s0 =	sshll.u32 @!p1 s0, $0xB  }
0x10b: {  	[sflag:s3] =	ssyncadd.s32 @!p0 $0xFFFFC000;
	s0 =	sadd.s32 @!p1 s8, s0  }
0x10c: {  	s3 =	sshrl.u32 @!p1 s0, $0x3;
	s0 =	sld @!p0 [smem:s28+$0x80]  }
0x10d: {  	s5 =	sadd.s32 @!p1 s4, s3;
	s3 =	sld @!p0 [smem:s28+$0x81]  }
0x10e: {  	s6 =	simm.s32 @!p1 $0x800;
	s30 =	simm.s32 @!p1 $0x7A1400;
	s31 =	simm.s32 @!p1 $0x18180  }
0x10f: {  	[tilespmem:s31], [sflag:$0x4] =	stream.strided.gather @!p1 [hbm4b:s5+s6], $0x4000, s30, s6, $0x38;
	[tilespmem:$0x1E980] =	vst v63  }
0x110: {  	p1 =	sle.s32 @!p0 s3, s0  }
0x111: {  	p1 =	por p0, p1  }
.Ltmp22:
0x112: {  	_ = 	snop;
	(pc) =	sbr.rel @p1 .LBB2_36-.Ltmp22, $1  }
0x113: {  	_ =	sdelay $0x3  }
0x114: {  	s5 =	sshll.u32 s0, $0x2  }
0x115: {  	s5 =	sshra.s32 s5, $0x2  }
0x116: {  	s24 =	sadd.s32 $0x8100, s5  }
0x117: {  	v12 =	vld [tilespmem:s24+$0x0];
	_ =	sdelay $0x4  }
0x118: {  	(v2sf) =	vpush v12, $0x0;
	_ =	sdelay $0xe  }
0x119: {  	s12 =	spop (v2sf)  }
0x11a: {  	v61 =	vld [tilespmem:s12+$0x0];
	_ =	sdelay $0x4  }
0x11b: {  	(v2sf) =	vpush v61, $0x0;
	_ =	sdelay $0xc  }
0x11c: {  	s6 =	sshll.u32 s26, $0xA  }
0x11d: {  	s6 =	sadd.s32 s2, s6  }
0x11e: {  	s31 =	ssub.s32 $0x0, s6;
	s11 =	spop (v2sf)  }
0x11f: {  	s6 =	sadd.s32 s11, s31  }
0x120: {  	v62 =	vmov s6  }
0x121: {  	v13 =	vshll.u32 v62, $0x3  }
0x122: {  	v12 =	vand.u32 $0x7F, v62;
	v13 =	vand.u32 $0xFFFFFC00, v13  }
0x123: {  	v12 =	vor.u32 v12, v13  }
0x124: {  	v13 =	vadd.s32 v5, v12;
	_ =	sdelay $0x4  }
0x125: {  	v13 =	vld.idx.msk [tilespmem:v13+s16+$0x0], $0xffff  }
0x126: {  	v14 =	vadd.s32 v6, v12;
	_ =	sdelay $0x1  }
0x127: {  	s11 =	sshll.u32 s29, $0x7  }
0x128: {  	s30 =	sand.u32 $0x780, s11  }
0x129: {  	[tilespmem:s30+$0x1C180] =	vst v13  }
0x12a: {  	v13 =	vld.idx.msk [tilespmem:v14+s16+$0x0], $0xffff  }
0x12b: {  	v63 =	vadd.s32 v7, v12;
	_ =	sdelay $0x3  }
0x12c: {  	[tilespmem:s30+$0x1C190] =	vst v13  }
0x12d: {  	v13 =	vld.idx.msk [tilespmem:v63+s16+$0x0], $0xffff  }
0x12e: {  	v12 =	vadd.s32 v8, v12;
	_ =	sdelay $0x3  }
0x12f: {  	[tilespmem:s30+$0x1C1A0] =	vst v13  }
0x130: {  	v12 =	vld.idx.msk [tilespmem:v12+s16+$0x0], $0xffff  }
0x131: {  	s6 =	ssub.s32 s3, s0  }
0x132: {  	s6 =	sadd.s32 $0xFFFFFFFF, s6  }
0x133: {  	s5 =	sshll.u32 s12, $0x4;
	p0 =	sne.s32 s6, $0x0  }
.Ltmp23:
0x134: {  	s5 =	sand.u32 $0x1FFFFFF0, s5;
	(pc) =	sbr.rel @!p0 .LBB2_39-.Ltmp23, $4  }
0x135: {  	p1 =	slt.s32 s29, $0xF;
	s5 =	sadd.s32 s9, s5;
	[tilespmem:s30+$0x1C1B0] =	vst v12;
	s30 =	sadd.s32 $0x1C180, s30  }
0x136: {  	[hbm4b:s5+s7] =	stream.linear.scatter [tilespmem:s30], [sflag:$0x5], $0x80, $0x38;
	[tilespmem:$0x1E980] =	vst v63  }
0x137: {  	s12 =	sadd.s32 s3, s29;
	s3 =	sadd.s32 $0x1, s24;
	s5 =	simm.s32 @!p1 $0x5  }
0x138: {  	s30 =	ssub.s32 s12, s0;
	s0 =	sadd.s32 $0x80, s11;
	_ =	swait.ge @!p1 [sflag:s5], $0x80  }
.LBB2_38:
0x139: {  	s6 =	sadd.s32 $0xFFFFFFFF, s6;
	[sflag:s5] =	ssyncset.done @!p1 $0x0;
	s29 =	sadd.s32 $0x1, s29  }
0x13a: {  	p0 =	sne.s32 s6, $0x0;
	[sflag:s5] =	ssyncadd.s32 @!p1 $0xFFFFFF80  }
0x13b: {  	v12 =	vld [tilespmem:s3+$0x0];
	_ =	sdelay $0x4  }
0x13c: {  	(v2sf) =	vpush v12, $0x0;
	_ =	sdelay $0xe  }
0x13d: {  	s5 =	spop (v2sf)  }
0x13e: {  	v12 =	vld [tilespmem:s5+$0x0];
	s5 =	sshll.u32 s5, $0x4;
	_ =	sdelay $0x4  }
0x13f: {  	(v2sf) =	vpush v12, $0x0;
	_ =	sdelay $0xe  }
0x140: {  	s11 =	spop (v2sf)  }
0x141: {  	s11 =	sadd.s32 s11, s31  }
0x142: {  	v12 =	vmov s11  }
0x143: {  	v13 =	vand.u32 $0x7F, v12;
	v12 =	vshll.u32 v12, $0x3  }
0x144: {  	v12 =	vand.u32 $0xFFFFFC00, v12  }
0x145: {  	v12 =	vor.u32 v13, v12  }
0x146: {  	v13 =	vadd.s32 v5, v12;
	_ =	sdelay $0x4  }
0x147: {  	v13 =	vld.idx.msk [tilespmem:v13+s16+$0x0], $0xffff  }
0x148: {  	v14 =	vadd.s32 v6, v12;
	_ =	sdelay $0x2  }
0x149: {  	s11 =	sand.u32 $0x780, s0;
	_ =	sdelay $0x1  }
0x14a: {  	[tilespmem:s11+$0x1C180] =	vst v13  }
0x14b: {  	v13 =	vld.idx.msk [tilespmem:v14+s16+$0x0], $0xffff  }
0x14c: {  	v14 =	vadd.s32 v7, v12;
	_ =	sdelay $0x4  }
0x14d: {  	[tilespmem:s11+$0x1C190] =	vst v13  }
0x14e: {  	v13 =	vld.idx.msk [tilespmem:v14+s16+$0x0], $0xffff  }
0x14f: {  	v12 =	vadd.s32 v8, v12;
	_ =	sdelay $0x4  }
0x150: {  	[tilespmem:s11+$0x1C1A0] =	vst v13  }
0x151: {  	v12 =	vld.idx.msk [tilespmem:v12+s16+$0x0], $0xffff;
	_ =	sdelay $0x3  }
.Ltmp24:
0x152: {  	s5 =	sand.u32 $0x1FFFFFF0, s5;
	(pc) =	sbr.rel @p0 .LBB2_38-.Ltmp24, $4  }
0x153: {  	p1 =	slt.s32 s29, $0xF;
	s12 =	sadd.s32 s9, s5;
	s24 =	sadd.s32 $0x1C180, s11  }
0x154: {  	s5 =	simm.s32 @!p1 $0x5;
	[tilespmem:s11+$0x1C1B0] =	vst v12  }
0x155: {  	[hbm4b:s12+s7] =	stream.linear.scatter [tilespmem:s24], [sflag:$0x5], $0x80, $0x38;
	[tilespmem:$0x1E980] =	vst v63  }
0x156: {  	s3 =	sadd.s32 $0x1, s3;
	s0 =	sadd.s32 $0x80, s0;
	_ =	swait.ge @!p1 [sflag:s5], $0x80  }
.LBB2_39:
.Ltmp25:
0x157: {  	(pc) =	sbr.rel .LBB2_40-.Ltmp25, $3  }
0x158: {  	_ =	sdelay $0x1  }
0x159: {  	[sflag:s5] =	ssyncset.done @!p1 $0x0  }
0x15a: {  	[sflag:s5] =	ssyncadd.s32 @!p1 $0xFFFFFF80  }
.LBB2_36:
0x15b: {  	s29 =	smov.u32 @p0 s29  }
0x15c: {  	s30 =	smov.u32 s29  }
.LBB2_40:
0x15d: {  	s5 =	sor.u32 $0x1, s28  }
0x15e: {  	p0 =	sge.u32 s5, s1  }
0x15f: {  	s0 =	sadd.s32 @!p0 $0x4, s28  }
0x160: {  	s3 =	simm.s32 @!p0 $0x2;
	p1 =	sge.u32 @!p0 s0, s1  }
0x161: {  	_ =	swait.ge @!p0 [sflag:s3], $0x4000;
	p1 =	por p1, p0  }
0x162: {  	[sflag:s3] =	ssyncset.done @!p0 $0x0;
	s0 =	sshll.u32 @!p1 s0, $0xB  }
0x163: {  	[sflag:s3] =	ssyncadd.s32 @!p0 $0xFFFFC000;
	s0 =	sadd.s32 @!p1 s8, s0  }
0x164: {  	s3 =	sshrl.u32 @!p1 s0, $0x3;
	s0 =	sld @!p0 [smem:s5+$0x80]  }
0x165: {  	s6 =	sadd.s32 @!p1 s4, s3;
	s3 =	sld @!p0 [smem:s28+$0x82]  }
0x166: {  	s11 =	simm.s32 @!p1 $0x800;
	s12 =	simm.s32 @!p1 $0x7A1400;
	s24 =	simm.s32 @!p1 $0xC180  }
0x167: {  	[tilespmem:s24], [sflag:$0x1] =	stream.strided.gather @!p1 [hbm4b:s6+s11], $0x4000, s12, s11, $0x38;
	[tilespmem:$0x1E980] =	vst v63  }
0x168: {  	p1 =	sle.s32 @!p0 s3, s0  }
0x169: {  	p1 =	por p0, p1  }
.Ltmp26:
0x16a: {  	_ = 	snop;
	(pc) =	sbr.rel @p1 .LBB2_41-.Ltmp26, $1  }
0x16b: {  	_ =	sdelay $0x3  }
0x16c: {  	s6 =	sshll.u32 s0, $0x2  }
0x16d: {  	s6 =	sshra.s32 s6, $0x2  }
0x16e: {  	s11 =	sadd.s32 $0x8100, s6  }
0x16f: {  	v12 =	vld [tilespmem:s11+$0x0];
	_ =	sdelay $0x4  }
0x170: {  	(v2sf) =	vpush v12, $0x0;
	_ =	sdelay $0xe  }
0x171: {  	s6 =	spop (v2sf)  }
0x172: {  	v61 =	vld [tilespmem:s6+$0x0];
	_ =	sdelay $0x4  }
0x173: {  	(v2sf) =	vpush v61, $0x0;
	_ =	sdelay $0xc  }
0x174: {  	s5 =	sshll.u32 s5, $0x8  }
0x175: {  	s5 =	sadd.s32 s2, s5  }
0x176: {  	s31 =	ssub.s32 $0x0, s5;
	s24 =	spop (v2sf)  }
0x177: {  	s5 =	sadd.s32 s24, s31  }
0x178: {  	v62 =	vmov s5  }
0x179: {  	v13 =	vshll.u32 v62, $0x3  }
0x17a: {  	v12 =	vand.u32 $0x7F, v62;
	v13 =	vand.u32 $0xFFFFFC00, v13  }
0x17b: {  	v12 =	vor.u32 v12, v13  }
0x17c: {  	v13 =	vadd.s32 v5, v12;
	_ =	sdelay $0x4  }
0x17d: {  	v13 =	vld.idx.msk [tilespmem:v13+s17+$0x0], $0xffff  }
0x17e: {  	v14 =	vadd.s32 v6, v12;
	_ =	sdelay $0x1  }
0x17f: {  	s12 =	sshll.u32 s30, $0x7  }
0x180: {  	s5 =	sand.u32 $0x780, s12  }
0x181: {  	[tilespmem:s5+$0x1C180] =	vst v13  }
0x182: {  	v13 =	vld.idx.msk [tilespmem:v14+s17+$0x0], $0xffff  }
0x183: {  	v63 =	vadd.s32 v7, v12;
	_ =	sdelay $0x3  }
0x184: {  	[tilespmem:s5+$0x1C190] =	vst v13  }
0x185: {  	v13 =	vld.idx.msk [tilespmem:v63+s17+$0x0], $0xffff  }
0x186: {  	v12 =	vadd.s32 v8, v12;
	_ =	sdelay $0x3  }
0x187: {  	[tilespmem:s5+$0x1C1A0] =	vst v13  }
0x188: {  	v12 =	vld.idx.msk [tilespmem:v12+s17+$0x0], $0xffff  }
0x189: {  	s24 =	ssub.s32 s3, s0  }
0x18a: {  	s29 =	sshll.u32 s6, $0x4;
	s6 =	sadd.s32 $0xFFFFFFFF, s24  }
0x18b: {  	p0 =	sne.s32 s6, $0x0  }
.Ltmp27:
0x18c: {  	p1 =	slt.s32 s30, $0xF;
	s24 =	sand.u32 $0x1FFFFFF0, s29;
	(pc) =	sbr.rel @!p0 .LBB2_44-.Ltmp27, $4  }
0x18d: {  	s3 =	sadd.s32 s3, s30;
	s24 =	sadd.s32 s9, s24;
	[tilespmem:s5+$0x1C1B0] =	vst v12;
	s5 =	sadd.s32 $0x1C180, s5  }
0x18e: {  	[hbm4b:s24+s7] =	stream.linear.scatter [tilespmem:s5], [sflag:$0x5], $0x80, $0x38;
	[tilespmem:$0x1E980] =	vst v63  }
0x18f: {  	s29 =	ssub.s32 s3, s0;
	s5 =	simm.s32 @!p1 $0x5  }
0x190: {  	s0 =	sadd.s32 $0x80, s12;
	s3 =	sadd.s32 $0x1, s11;
	_ =	swait.ge @!p1 [sflag:s5], $0x80  }
.LBB2_43:
0x191: {  	s6 =	sadd.s32 $0xFFFFFFFF, s6;
	[sflag:s5] =	ssyncset.done @!p1 $0x0;
	s30 =	sadd.s32 $0x1, s30  }
0x192: {  	p0 =	sne.s32 s6, $0x0;
	[sflag:s5] =	ssyncadd.s32 @!p1 $0xFFFFFF80  }
0x193: {  	v12 =	vld [tilespmem:s3+$0x0];
	_ =	sdelay $0x4  }
0x194: {  	(v2sf) =	vpush v12, $0x0;
	_ =	sdelay $0xe  }
0x195: {  	s5 =	spop (v2sf)  }
0x196: {  	v12 =	vld [tilespmem:s5+$0x0];
	s5 =	sshll.u32 s5, $0x4;
	_ =	sdelay $0x4  }
0x197: {  	(v2sf) =	vpush v12, $0x0;
	_ =	sdelay $0xe  }
0x198: {  	s11 =	spop (v2sf)  }
0x199: {  	s11 =	sadd.s32 s11, s31  }
0x19a: {  	v12 =	vmov s11  }
0x19b: {  	v13 =	vand.u32 $0x7F, v12;
	v12 =	vshll.u32 v12, $0x3  }
0x19c: {  	v12 =	vand.u32 $0xFFFFFC00, v12  }
0x19d: {  	v12 =	vor.u32 v13, v12  }
0x19e: {  	v13 =	vadd.s32 v5, v12;
	_ =	sdelay $0x4  }
0x19f: {  	v13 =	vld.idx.msk [tilespmem:v13+s17+$0x0], $0xffff  }
0x1a0: {  	v14 =	vadd.s32 v6, v12;
	_ =	sdelay $0x2  }
0x1a1: {  	s11 =	sand.u32 $0x780, s0;
	_ =	sdelay $0x1  }
0x1a2: {  	[tilespmem:s11+$0x1C180] =	vst v13  }
0x1a3: {  	v13 =	vld.idx.msk [tilespmem:v14+s17+$0x0], $0xffff  }
0x1a4: {  	v14 =	vadd.s32 v7, v12;
	_ =	sdelay $0x4  }
0x1a5: {  	[tilespmem:s11+$0x1C190] =	vst v13  }
0x1a6: {  	v13 =	vld.idx.msk [tilespmem:v14+s17+$0x0], $0xffff  }
0x1a7: {  	v12 =	vadd.s32 v8, v12;
	_ =	sdelay $0x4  }
0x1a8: {  	[tilespmem:s11+$0x1C1A0] =	vst v13  }
0x1a9: {  	v12 =	vld.idx.msk [tilespmem:v12+s17+$0x0], $0xffff;
	_ =	sdelay $0x3  }
.Ltmp28:
0x1aa: {  	s5 =	sand.u32 $0x1FFFFFF0, s5;
	(pc) =	sbr.rel @p0 .LBB2_43-.Ltmp28, $4  }
0x1ab: {  	p1 =	slt.s32 s30, $0xF;
	s24 =	sadd.s32 s9, s5;
	s12 =	sadd.s32 $0x1C180, s11  }
0x1ac: {  	s5 =	simm.s32 @!p1 $0x5;
	[tilespmem:s11+$0x1C1B0] =	vst v12  }
0x1ad: {  	[hbm4b:s24+s7] =	stream.linear.scatter [tilespmem:s12], [sflag:$0x5], $0x80, $0x38;
	[tilespmem:$0x1E980] =	vst v63  }
0x1ae: {  	s3 =	sadd.s32 $0x1, s3;
	s0 =	sadd.s32 $0x80, s0;
	_ =	swait.ge @!p1 [sflag:s5], $0x80  }
.LBB2_44:
.Ltmp29:
0x1af: {  	(pc) =	sbr.rel .LBB2_45-.Ltmp29, $3  }
0x1b0: {  	_ =	sdelay $0x1  }
0x1b1: {  	[sflag:s5] =	ssyncset.done @!p1 $0x0  }
0x1b2: {  	[sflag:s5] =	ssyncadd.s32 @!p1 $0xFFFFFF80  }
.LBB2_41:
0x1b3: {  	s30 =	smov.u32 @p0 s30  }
0x1b4: {  	s29 =	smov.u32 s30  }
.LBB2_45:
0x1b5: {  	s5 =	sor.u32 $0x2, s28  }
0x1b6: {  	p0 =	sge.u32 s5, s1  }
0x1b7: {  	s0 =	sadd.s32 @!p0 $0x5, s28  }
0x1b8: {  	s3 =	simm.s32 @!p0 $0x3;
	p1 =	sge.u32 @!p0 s0, s1  }
0x1b9: {  	_ =	swait.ge @!p0 [sflag:s3], $0x4000;
	p1 =	por p1, p0  }
0x1ba: {  	[sflag:s3] =	ssyncset.done @!p0 $0x0;
	s0 =	sshll.u32 @!p1 s0, $0xB  }
0x1bb: {  	[sflag:s3] =	ssyncadd.s32 @!p0 $0xFFFFC000;
	s0 =	sadd.s32 @!p1 s8, s0  }
0x1bc: {  	s3 =	sshrl.u32 @!p1 s0, $0x3;
	s0 =	sld @!p0 [smem:s5+$0x80]  }
0x1bd: {  	s6 =	sadd.s32 @!p1 s4, s3;
	s3 =	sld @!p0 [smem:s28+$0x83]  }
0x1be: {  	s11 =	simm.s32 @!p1 $0x800;
	s12 =	simm.s32 @!p1 $0x7A1400;
	s24 =	simm.s32 @!p1 $0x10180  }
0x1bf: {  	[tilespmem:s24], [sflag:$0x2] =	stream.strided.gather @!p1 [hbm4b:s6+s11], $0x4000, s12, s11, $0x38;
	[tilespmem:$0x1E980] =	vst v63  }
0x1c0: {  	p1 =	sle.s32 @!p0 s3, s0  }
0x1c1: {  	p1 =	por p0, p1  }
.Ltmp30:
0x1c2: {  	_ = 	snop;
	(pc) =	sbr.rel @p1 .LBB2_46-.Ltmp30, $1  }
0x1c3: {  	_ =	sdelay $0x3  }
0x1c4: {  	s6 =	sshll.u32 s0, $0x2  }
0x1c5: {  	s6 =	sshra.s32 s6, $0x2  }
0x1c6: {  	s11 =	sadd.s32 $0x8100, s6  }
0x1c7: {  	v12 =	vld [tilespmem:s11+$0x0];
	_ =	sdelay $0x4  }
0x1c8: {  	(v2sf) =	vpush v12, $0x0;
	_ =	sdelay $0xe  }
0x1c9: {  	s6 =	spop (v2sf)  }
0x1ca: {  	v61 =	vld [tilespmem:s6+$0x0];
	_ =	sdelay $0x4  }
0x1cb: {  	(v2sf) =	vpush v61, $0x0;
	_ =	sdelay $0xc  }
0x1cc: {  	s5 =	sshll.u32 s5, $0x8  }
0x1cd: {  	s5 =	sadd.s32 s2, s5  }
0x1ce: {  	s31 =	ssub.s32 $0x0, s5;
	s24 =	spop (v2sf)  }
0x1cf: {  	s5 =	sadd.s32 s24, s31  }
0x1d0: {  	v62 =	vmov s5  }
0x1d1: {  	v13 =	vshll.u32 v62, $0x3  }
0x1d2: {  	v12 =	vand.u32 $0x7F, v62;
	v13 =	vand.u32 $0xFFFFFC00, v13  }
0x1d3: {  	v12 =	vor.u32 v12, v13  }
0x1d4: {  	v13 =	vadd.s32 v5, v12;
	_ =	sdelay $0x4  }
0x1d5: {  	v13 =	vld.idx.msk [tilespmem:v13+s18+$0x0], $0xffff  }
0x1d6: {  	v14 =	vadd.s32 v6, v12;
	_ =	sdelay $0x1  }
0x1d7: {  	s12 =	sshll.u32 s29, $0x7  }
0x1d8: {  	s5 =	sand.u32 $0x780, s12  }
0x1d9: {  	[tilespmem:s5+$0x1C180] =	vst v13  }
0x1da: {  	v13 =	vld.idx.msk [tilespmem:v14+s18+$0x0], $0xffff  }
0x1db: {  	v63 =	vadd.s32 v7, v12;
	_ =	sdelay $0x3  }
0x1dc: {  	[tilespmem:s5+$0x1C190] =	vst v13  }
0x1dd: {  	v13 =	vld.idx.msk [tilespmem:v63+s18+$0x0], $0xffff  }
0x1de: {  	v12 =	vadd.s32 v8, v12;
	_ =	sdelay $0x3  }
0x1df: {  	[tilespmem:s5+$0x1C1A0] =	vst v13  }
0x1e0: {  	v12 =	vld.idx.msk [tilespmem:v12+s18+$0x0], $0xffff  }
0x1e1: {  	s24 =	ssub.s32 s3, s0  }
0x1e2: {  	s30 =	sshll.u32 s6, $0x4;
	s6 =	sadd.s32 $0xFFFFFFFF, s24  }
0x1e3: {  	p0 =	sne.s32 s6, $0x0  }
.Ltmp31:
0x1e4: {  	p1 =	slt.s32 s29, $0xF;
	s24 =	sand.u32 $0x1FFFFFF0, s30;
	(pc) =	sbr.rel @!p0 .LBB2_49-.Ltmp31, $4  }
0x1e5: {  	s3 =	sadd.s32 s3, s29;
	s24 =	sadd.s32 s9, s24;
	[tilespmem:s5+$0x1C1B0] =	vst v12;
	s5 =	sadd.s32 $0x1C180, s5  }
0x1e6: {  	[hbm4b:s24+s7] =	stream.linear.scatter [tilespmem:s5], [sflag:$0x5], $0x80, $0x38;
	[tilespmem:$0x1E980] =	vst v63  }
0x1e7: {  	s30 =	ssub.s32 s3, s0;
	s5 =	simm.s32 @!p1 $0x5  }
0x1e8: {  	s0 =	sadd.s32 $0x80, s12;
	s3 =	sadd.s32 $0x1, s11;
	_ =	swait.ge @!p1 [sflag:s5], $0x80  }
.LBB2_48:
0x1e9: {  	s6 =	sadd.s32 $0xFFFFFFFF, s6;
	[sflag:s5] =	ssyncset.done @!p1 $0x0;
	s29 =	sadd.s32 $0x1, s29  }
0x1ea: {  	p0 =	sne.s32 s6, $0x0;
	[sflag:s5] =	ssyncadd.s32 @!p1 $0xFFFFFF80  }
0x1eb: {  	v12 =	vld [tilespmem:s3+$0x0];
	_ =	sdelay $0x4  }
0x1ec: {  	(v2sf) =	vpush v12, $0x0;
	_ =	sdelay $0xe  }
0x1ed: {  	s5 =	spop (v2sf)  }
0x1ee: {  	v12 =	vld [tilespmem:s5+$0x0];
	s5 =	sshll.u32 s5, $0x4;
	_ =	sdelay $0x4  }
0x1ef: {  	(v2sf) =	vpush v12, $0x0;
	_ =	sdelay $0xe  }
0x1f0: {  	s11 =	spop (v2sf)  }
0x1f1: {  	s11 =	sadd.s32 s11, s31  }
0x1f2: {  	v12 =	vmov s11  }
0x1f3: {  	v13 =	vand.u32 $0x7F, v12;
	v12 =	vshll.u32 v12, $0x3  }
0x1f4: {  	v12 =	vand.u32 $0xFFFFFC00, v12  }
0x1f5: {  	v12 =	vor.u32 v13, v12  }
0x1f6: {  	v13 =	vadd.s32 v5, v12;
	_ =	sdelay $0x4  }
0x1f7: {  	v13 =	vld.idx.msk [tilespmem:v13+s18+$0x0], $0xffff  }
0x1f8: {  	v14 =	vadd.s32 v6, v12;
	_ =	sdelay $0x2  }
0x1f9: {  	s11 =	sand.u32 $0x780, s0;
	_ =	sdelay $0x1  }
0x1fa: {  	[tilespmem:s11+$0x1C180] =	vst v13  }
0x1fb: {  	v13 =	vld.idx.msk [tilespmem:v14+s18+$0x0], $0xffff  }
0x1fc: {  	v14 =	vadd.s32 v7, v12;
	_ =	sdelay $0x4  }
0x1fd: {  	[tilespmem:s11+$0x1C190] =	vst v13  }
0x1fe: {  	v13 =	vld.idx.msk [tilespmem:v14+s18+$0x0], $0xffff  }
0x1ff: {  	v12 =	vadd.s32 v8, v12;
	_ =	sdelay $0x4  }
0x200: {  	[tilespmem:s11+$0x1C1A0] =	vst v13  }
0x201: {  	v12 =	vld.idx.msk [tilespmem:v12+s18+$0x0], $0xffff;
	_ =	sdelay $0x3  }
.Ltmp32:
0x202: {  	s5 =	sand.u32 $0x1FFFFFF0, s5;
	(pc) =	sbr.rel @p0 .LBB2_48-.Ltmp32, $4  }
0x203: {  	p1 =	slt.s32 s29, $0xF;
	s24 =	sadd.s32 s9, s5;
	s12 =	sadd.s32 $0x1C180, s11  }
0x204: {  	s5 =	simm.s32 @!p1 $0x5;
	[tilespmem:s11+$0x1C1B0] =	vst v12  }
0x205: {  	[hbm4b:s24+s7] =	stream.linear.scatter [tilespmem:s12], [sflag:$0x5], $0x80, $0x38;
	[tilespmem:$0x1E980] =	vst v63  }
0x206: {  	s3 =	sadd.s32 $0x1, s3;
	s0 =	sadd.s32 $0x80, s0;
	_ =	swait.ge @!p1 [sflag:s5], $0x80  }
.LBB2_49:
.Ltmp33:
0x207: {  	(pc) =	sbr.rel .LBB2_50-.Ltmp33, $3  }
0x208: {  	_ =	sdelay $0x1  }
0x209: {  	[sflag:s5] =	ssyncset.done @!p1 $0x0  }
0x20a: {  	[sflag:s5] =	ssyncadd.s32 @!p1 $0xFFFFFF80  }
.LBB2_46:
0x20b: {  	s29 =	smov.u32 @p0 s29  }
0x20c: {  	s30 =	smov.u32 s29  }
.LBB2_50:
0x20d: {  	s5 =	sor.u32 $0x3, s28  }
0x20e: {  	p0 =	sge.u32 s5, s1  }
0x20f: {  	s0 =	sadd.s32 @!p0 $0x6, s28  }
0x210: {  	s3 =	simm.s32 @!p0 $0x4;
	p1 =	sge.u32 @!p0 s0, s1  }
0x211: {  	_ =	swait.ge @!p0 [sflag:s3], $0x4000;
	p1 =	por p1, p0  }
0x212: {  	[sflag:s3] =	ssyncset.done @!p0 $0x0;
	s0 =	sshll.u32 @!p1 s0, $0xB  }
0x213: {  	[sflag:s3] =	ssyncadd.s32 @!p0 $0xFFFFC000;
	s0 =	sadd.s32 @!p1 s8, s0  }
0x214: {  	s3 =	sshrl.u32 @!p1 s0, $0x3;
	s0 =	sld @!p0 [smem:s28+$0x83]  }
0x215: {  	s6 =	sadd.s32 @!p1 s4, s3;
	s3 =	sld @!p0 [smem:s28+$0x84]  }
0x216: {  	s11 =	simm.s32 @!p1 $0x800;
	s12 =	simm.s32 @!p1 $0x7A1400;
	s24 =	simm.s32 @!p1 $0x14180  }
0x217: {  	[tilespmem:s24], [sflag:$0x3] =	stream.strided.gather @!p1 [hbm4b:s6+s11], $0x4000, s12, s11, $0x38;
	[tilespmem:$0x1E980] =	vst v63  }
0x218: {  	p1 =	sle.s32 @!p0 s3, s0  }
0x219: {  	p1 =	por p0, p1  }
.Ltmp34:
0x21a: {  	_ = 	snop;
	(pc) =	sbr.rel @p1 .LBB2_51-.Ltmp34, $1  }
0x21b: {  	_ =	sdelay $0x3  }
0x21c: {  	s6 =	sshll.u32 s0, $0x2  }
0x21d: {  	s6 =	sshra.s32 s6, $0x2  }
0x21e: {  	s11 =	sadd.s32 $0x8100, s6  }
0x21f: {  	v12 =	vld [tilespmem:s11+$0x0];
	_ =	sdelay $0x4  }
0x220: {  	(v2sf) =	vpush v12, $0x0;
	_ =	sdelay $0xe  }
0x221: {  	s31 =	spop (v2sf)  }
0x222: {  	v61 =	vld [tilespmem:s31+$0x0];
	_ =	sdelay $0x4  }
0x223: {  	(v2sf) =	vpush v61, $0x0;
	_ =	sdelay $0xc  }
0x224: {  	s5 =	sshll.u32 s5, $0x8  }
0x225: {  	s5 =	sadd.s32 s2, s5  }
0x226: {  	s28 =	ssub.s32 $0x0, s5;
	s24 =	spop (v2sf)  }
0x227: {  	s5 =	sadd.s32 s24, s28  }
0x228: {  	v62 =	vmov s5  }
0x229: {  	v13 =	vshll.u32 v62, $0x3  }
0x22a: {  	v12 =	vand.u32 $0x7F, v62;
	v13 =	vand.u32 $0xFFFFFC00, v13  }
0x22b: {  	v12 =	vor.u32 v12, v13  }
0x22c: {  	v13 =	vadd.s32 v5, v12;
	_ =	sdelay $0x4  }
0x22d: {  	v13 =	vld.idx.msk [tilespmem:v13+s22+$0x0], $0xffff  }
0x22e: {  	v14 =	vadd.s32 v6, v12;
	_ =	sdelay $0x1  }
0x22f: {  	s12 =	sshll.u32 s30, $0x7  }
0x230: {  	s5 =	sand.u32 $0x780, s12  }
0x231: {  	[tilespmem:s5+$0x1C180] =	vst v13  }
0x232: {  	v13 =	vld.idx.msk [tilespmem:v14+s22+$0x0], $0xffff  }
0x233: {  	v63 =	vadd.s32 v7, v12;
	_ =	sdelay $0x3  }
0x234: {  	[tilespmem:s5+$0x1C190] =	vst v13  }
0x235: {  	v13 =	vld.idx.msk [tilespmem:v63+s22+$0x0], $0xffff  }
0x236: {  	v12 =	vadd.s32 v8, v12;
	_ =	sdelay $0x3  }
0x237: {  	[tilespmem:s5+$0x1C1A0] =	vst v13  }
0x238: {  	v12 =	vld.idx.msk [tilespmem:v12+s22+$0x0], $0xffff  }
0x239: {  	s24 =	ssub.s32 s3, s0  }
0x23a: {  	s6 =	sadd.s32 $0xFFFFFFFF, s24  }
0x23b: {  	s29 =	sshll.u32 s31, $0x4;
	p0 =	sne.s32 s6, $0x0  }
.Ltmp35:
0x23c: {  	p1 =	slt.s32 s30, $0xF;
	s31 =	sand.u32 $0x1FFFFFF0, s29;
	(pc) =	sbr.rel @!p0 .LBB2_54-.Ltmp35, $4  }
0x23d: {  	s3 =	sadd.s32 s3, s30;
	s24 =	sadd.s32 s9, s31;
	[tilespmem:s5+$0x1C1B0] =	vst v12;
	s5 =	sadd.s32 $0x1C180, s5  }
0x23e: {  	[hbm4b:s24+s7] =	stream.linear.scatter [tilespmem:s5], [sflag:$0x5], $0x80, $0x38;
	[tilespmem:$0x1E980] =	vst v63  }
0x23f: {  	s29 =	ssub.s32 s3, s0;
	s5 =	simm.s32 @!p1 $0x5  }
0x240: {  	s0 =	sadd.s32 $0x80, s12;
	s3 =	sadd.s32 $0x1, s11;
	_ =	swait.ge @!p1 [sflag:s5], $0x80  }
.LBB2_53:
0x241: {  	s6 =	sadd.s32 $0xFFFFFFFF, s6;
	[sflag:s5] =	ssyncset.done @!p1 $0x0;
	s30 =	sadd.s32 $0x1, s30  }
0x242: {  	p0 =	sne.s32 s6, $0x0;
	[sflag:s5] =	ssyncadd.s32 @!p1 $0xFFFFFF80  }
0x243: {  	v12 =	vld [tilespmem:s3+$0x0];
	_ =	sdelay $0x4  }
0x244: {  	(v2sf) =	vpush v12, $0x0;
	_ =	sdelay $0xe  }
0x245: {  	s5 =	spop (v2sf)  }
0x246: {  	v12 =	vld [tilespmem:s5+$0x0];
	s5 =	sshll.u32 s5, $0x4;
	_ =	sdelay $0x4  }
0x247: {  	(v2sf) =	vpush v12, $0x0;
	_ =	sdelay $0xe  }
0x248: {  	s11 =	spop (v2sf)  }
0x249: {  	s11 =	sadd.s32 s11, s28  }
0x24a: {  	v12 =	vmov s11  }
0x24b: {  	v13 =	vand.u32 $0x7F, v12;
	v12 =	vshll.u32 v12, $0x3  }
0x24c: {  	v12 =	vand.u32 $0xFFFFFC00, v12  }
0x24d: {  	v12 =	vor.u32 v13, v12  }
0x24e: {  	v13 =	vadd.s32 v5, v12;
	_ =	sdelay $0x4  }
0x24f: {  	v13 =	vld.idx.msk [tilespmem:v13+s22+$0x0], $0xffff  }
0x250: {  	v14 =	vadd.s32 v6, v12;
	_ =	sdelay $0x2  }
0x251: {  	s11 =	sand.u32 $0x780, s0;
	_ =	sdelay $0x1  }
0x252: {  	[tilespmem:s11+$0x1C180] =	vst v13  }
0x253: {  	v13 =	vld.idx.msk [tilespmem:v14+s22+$0x0], $0xffff  }
0x254: {  	v14 =	vadd.s32 v7, v12;
	_ =	sdelay $0x4  }
0x255: {  	[tilespmem:s11+$0x1C190] =	vst v13  }
0x256: {  	v13 =	vld.idx.msk [tilespmem:v14+s22+$0x0], $0xffff  }
0x257: {  	v12 =	vadd.s32 v8, v12;
	_ =	sdelay $0x4  }
0x258: {  	[tilespmem:s11+$0x1C1A0] =	vst v13  }
0x259: {  	v12 =	vld.idx.msk [tilespmem:v12+s22+$0x0], $0xffff;
	_ =	sdelay $0x3  }
.Ltmp36:
0x25a: {  	s5 =	sand.u32 $0x1FFFFFF0, s5;
	(pc) =	sbr.rel @p0 .LBB2_53-.Ltmp36, $4  }
0x25b: {  	p1 =	slt.s32 s30, $0xF;
	s24 =	sadd.s32 s9, s5;
	s12 =	sadd.s32 $0x1C180, s11  }
0x25c: {  	s5 =	simm.s32 @!p1 $0x5;
	[tilespmem:s11+$0x1C1B0] =	vst v12  }
0x25d: {  	[hbm4b:s24+s7] =	stream.linear.scatter [tilespmem:s12], [sflag:$0x5], $0x80, $0x38;
	[tilespmem:$0x1E980] =	vst v63  }
0x25e: {  	s3 =	sadd.s32 $0x1, s3;
	s0 =	sadd.s32 $0x80, s0;
	_ =	swait.ge @!p1 [sflag:s5], $0x80  }
.LBB2_54:
.Ltmp37:
0x25f: {  	(pc) =	sbr.rel .LBB2_55-.Ltmp37, $3  }
0x260: {  	_ =	sdelay $0x1  }
0x261: {  	[sflag:s5] =	ssyncset.done @!p1 $0x0  }
0x262: {  	[sflag:s5] =	ssyncadd.s32 @!p1 $0xFFFFFF80  }
.LBB2_56:
0x263: {  	s0 =	simm.s32 @!p2 $0x0;
	s3 =	simm.s32 @!p2 $0x1C980;
	s5 =	rddreg [dreg:$0x2]  }
0x264: {  	[tilespmem:s3], [sflag:$0x6] =	stream.linear.gather @!p2 [hbm4b:s5+s0], $0x2000, $0x38;
	[tilespmem:$0x1E980] =	vst v63  }
0x265: {  	s0 =	simm.s32 @!p2 $0x6  }
0x266: {  	_ =	swait.ge @!p2 [sflag:s0], $0x2000  }
0x267: {  	[sflag:s0] =	ssyncset.done @!p2 $0x0  }
0x268: {  	[sflag:s0] =	ssyncadd.s32 @!p2 $0xFFFFE000  }
0x269: {  	s0 =	sld @!p2 [smem:$0xFC]  }
0x26a: {  	s3 =	sld @!p2 [smem:$0xFD];
	_ =	sdelay $0x2  }
0x26b: {  	p0 =	sle.s32 @!p2 s3, s0  }
0x26c: {  	p0 =	por p2, p0  }
.Ltmp38:
0x26d: {  	_ = 	snop;
	(pc) =	sbr.rel @p0 .LBB2_57-.Ltmp38, $1  }
0x26e: {  	_ =	sdelay $0x3  }
0x26f: {  	s5 =	sshll.u32 s0, $0x2  }
0x270: {  	s5 =	sshra.s32 s5, $0x2  }
0x271: {  	s11 =	sadd.s32 $0x8100, s5  }
0x272: {  	v12 =	vld [tilespmem:s11+$0x0];
	_ =	sdelay $0x4  }
0x273: {  	(v2sf) =	vpush v12, $0x0;
	_ =	sdelay $0xe  }
0x274: {  	s26 =	spop (v2sf)  }
0x275: {  	v60 =	vld [tilespmem:s26+$0x0];
	_ =	sdelay $0x4  }
0x276: {  	(v2sf) =	vpush v60, $0x0;
	_ =	sdelay $0xe  }
0x277: {  	s6 =	spop (v2sf)  }
0x278: {  	s6 =	sshll.u32 s6, $0x7  }
0x279: {  	s6 =	sadd.s32 $0xF85F0000, s6  }
0x27a: {  	v61 =	vor.u32 s6, v3;
	_ =	sdelay $0x4  }
0x27b: {  	v12 =	vld.idx.msk [tilespmem:v61+s23+$0x0], $0xffff  }
0x27c: {  	v13 =	vor.u32 s6, v9;
	_ =	sdelay $0x1  }
0x27d: {  	s12 =	sshll.u32 s29, $0x7  }
0x27e: {  	s24 =	sand.u32 $0x780, s12  }
0x27f: {  	[tilespmem:s24+$0x1C180] =	vst v12  }
0x280: {  	v12 =	vld.idx.msk [tilespmem:v13+s23+$0x0], $0xffff  }
0x281: {  	v62 =	vor.u32 s6, v10;
	_ =	sdelay $0x3  }
0x282: {  	[tilespmem:s24+$0x1C190] =	vst v12  }
0x283: {  	v12 =	vld.idx.msk [tilespmem:v62+s23+$0x0], $0xffff  }
0x284: {  	v63 =	vor.u32 s6, v11;
	_ =	sdelay $0x3  }
0x285: {  	[tilespmem:s24+$0x1C1A0] =	vst v12  }
0x286: {  	s28 =	ssub.s32 s3, s0;
	v12 =	vld.idx.msk [tilespmem:v63+s23+$0x0], $0xffff  }
0x287: {  	s6 =	sadd.s32 $0xFFFFFFFF, s28  }
0x288: {  	p0 =	sne.s32 s6, $0x0  }
.Ltmp39:
0x289: {  	s30 =	sshll.u32 s26, $0x4;
	(pc) =	sbr.rel @!p0 .LBB2_60-.Ltmp39, $4  }
0x28a: {  	p1 =	slt.s32 s29, $0xF;
	s0 =	sadd.s32 $0x80, s12;
	s3 =	sand.u32 $0x1FFFFFF0, s30  }
0x28b: {  	s31 =	sadd.s32 $0x1C180, s24;
	s5 =	simm.s32 @!p1 $0x5;
	s3 =	sadd.s32 s9, s3;
	[tilespmem:s24+$0x1C1B0] =	vst v12  }
0x28c: {  	[hbm4b:s3+s7] =	stream.linear.scatter [tilespmem:s31], [sflag:$0x5], $0x80, $0x38;
	[tilespmem:$0x1E980] =	vst v63  }
0x28d: {  	s26 =	sadd.s32 s29, s28;
	s3 =	sadd.s32 $0x1, s11;
	_ =	swait.ge @!p1 [sflag:s5], $0x80  }
.LBB2_59:
0x28e: {  	s6 =	sadd.s32 $0xFFFFFFFF, s6;
	[sflag:s5] =	ssyncset.done @!p1 $0x0;
	s29 =	sadd.s32 $0x1, s29  }
0x28f: {  	p0 =	sne.s32 s6, $0x0;
	[sflag:s5] =	ssyncadd.s32 @!p1 $0xFFFFFF80  }
0x290: {  	v12 =	vld [tilespmem:s3+$0x0];
	_ =	sdelay $0x4  }
0x291: {  	(v2sf) =	vpush v12, $0x0;
	_ =	sdelay $0xe  }
0x292: {  	s5 =	spop (v2sf)  }
0x293: {  	v12 =	vld [tilespmem:s5+$0x0];
	s5 =	sshll.u32 s5, $0x4;
	_ =	sdelay $0x4  }
0x294: {  	(v2sf) =	vpush v12, $0x0;
	_ =	sdelay $0xe  }
0x295: {  	s11 =	spop (v2sf)  }
0x296: {  	s11 =	sshll.u32 s11, $0x7  }
0x297: {  	s11 =	sadd.s32 $0xF85F0000, s11  }
0x298: {  	v12 =	vor.u32 s11, v3;
	_ =	sdelay $0x4  }
0x299: {  	v12 =	vld.idx.msk [tilespmem:v12+s23+$0x0], $0xffff  }
0x29a: {  	v13 =	vor.u32 s11, v9;
	_ =	sdelay $0x2  }
0x29b: {  	s12 =	sand.u32 $0x780, s0;
	_ =	sdelay $0x1  }
0x29c: {  	[tilespmem:s12+$0x1C180] =	vst v12  }
0x29d: {  	v12 =	vld.idx.msk [tilespmem:v13+s23+$0x0], $0xffff  }
0x29e: {  	v13 =	vor.u32 s11, v10;
	_ =	sdelay $0x4  }
0x29f: {  	[tilespmem:s12+$0x1C190] =	vst v12  }
0x2a0: {  	v12 =	vld.idx.msk [tilespmem:v13+s23+$0x0], $0xffff  }
0x2a1: {  	v13 =	vor.u32 s11, v11;
	_ =	sdelay $0x4  }
0x2a2: {  	[tilespmem:s12+$0x1C1A0] =	vst v12  }
0x2a3: {  	v12 =	vld.idx.msk [tilespmem:v13+s23+$0x0], $0xffff;
	_ =	sdelay $0x3  }
.Ltmp40:
0x2a4: {  	s5 =	sand.u32 $0x1FFFFFF0, s5;
	(pc) =	sbr.rel @p0 .LBB2_59-.Ltmp40, $4  }
0x2a5: {  	p1 =	slt.s32 s29, $0xF;
	s24 =	sadd.s32 s9, s5;
	s11 =	sadd.s32 $0x1C180, s12  }
0x2a6: {  	s5 =	simm.s32 @!p1 $0x5;
	[tilespmem:s12+$0x1C1B0] =	vst v12  }
0x2a7: {  	[hbm4b:s24+s7] =	stream.linear.scatter [tilespmem:s11], [sflag:$0x5], $0x80, $0x38;
	[tilespmem:$0x1E980] =	vst v63  }
0x2a8: {  	s0 =	sadd.s32 $0x80, s0;
	s3 =	sadd.s32 $0x1, s3;
	_ =	swait.ge @!p1 [sflag:s5], $0x80  }
.LBB2_60:
.Ltmp41:
0x2a9: {  	(pc) =	sbr.rel .LBB2_61-.Ltmp41, $3  }
0x2aa: {  	_ =	sdelay $0x1  }
0x2ab: {  	[sflag:s5] =	ssyncset.done @!p1 $0x0  }
0x2ac: {  	[sflag:s5] =	ssyncadd.s32 @!p1 $0xFFFFFF80  }
.LBB2_57:
0x2ad: {  	s29 =	smov.u32 @p2 s29  }
0x2ae: {  	s26 =	smov.u32 s29  }
.LBB2_61:
0x2af: {  	p0 =	slt.s32 s26, $0x1  }
0x2b0: {  	s0 =	simm.s32 @!p0 $0x5  }
0x2b1: {  	p1 =	seq.s32 @!p0 s26, $0x1;
	_ =	swait.ge @!p0 [sflag:s0], $0x80  }
0x2b2: {  	p1 =	por p0, p1;
	[sflag:s0] =	ssyncset.done @!p0 $0x0  }
0x2b3: {  	[sflag:s0] =	ssyncadd.s32 @!p0 $0xFFFFFF80;
	s0 =	simm.s32 @!p1 $0x5  }
0x2b4: {  	p0 =	slt.u32 @!p1 s26, $0x3;
	_ =	swait.ge @!p1 [sflag:s0], $0x80  }
0x2b5: {  	p0 =	por p1, p0;
	[sflag:s0] =	ssyncset.done @!p1 $0x0  }
0x2b6: {  	[sflag:s0] =	ssyncadd.s32 @!p1 $0xFFFFFF80;
	s0 =	simm.s32 @!p0 $0x5  }
0x2b7: {  	p1 =	seq.s32 @!p0 s26, $0x3;
	_ =	swait.ge @!p0 [sflag:s0], $0x80  }
0x2b8: {  	p1 =	por p0, p1;
	[sflag:s0] =	ssyncset.done @!p0 $0x0  }
0x2b9: {  	[sflag:s0] =	ssyncadd.s32 @!p0 $0xFFFFFF80;
	s0 =	simm.s32 @!p1 $0x5  }
0x2ba: {  	p0 =	slt.u32 @!p1 s26, $0x5;
	_ =	swait.ge @!p1 [sflag:s0], $0x80  }
0x2bb: {  	p0 =	por p1, p0;
	[sflag:s0] =	ssyncset.done @!p1 $0x0  }
0x2bc: {  	[sflag:s0] =	ssyncadd.s32 @!p1 $0xFFFFFF80;
	s0 =	simm.s32 @!p0 $0x5  }
0x2bd: {  	p1 =	seq.s32 @!p0 s26, $0x5;
	_ =	swait.ge @!p0 [sflag:s0], $0x80  }
0x2be: {  	p1 =	por p0, p1;
	[sflag:s0] =	ssyncset.done @!p0 $0x0  }
0x2bf: {  	[sflag:s0] =	ssyncadd.s32 @!p0 $0xFFFFFF80;
	s0 =	simm.s32 @!p1 $0x5  }
0x2c0: {  	p0 =	slt.u32 @!p1 s26, $0x7;
	_ =	swait.ge @!p1 [sflag:s0], $0x80  }
0x2c1: {  	p0 =	por p1, p0;
	[sflag:s0] =	ssyncset.done @!p1 $0x0  }
0x2c2: {  	[sflag:s0] =	ssyncadd.s32 @!p1 $0xFFFFFF80;
	s0 =	simm.s32 @!p0 $0x5  }
0x2c3: {  	p1 =	seq.s32 @!p0 s26, $0x7;
	_ =	swait.ge @!p0 [sflag:s0], $0x80  }
0x2c4: {  	p1 =	por p0, p1;
	[sflag:s0] =	ssyncset.done @!p0 $0x0  }
0x2c5: {  	[sflag:s0] =	ssyncadd.s32 @!p0 $0xFFFFFF80;
	s0 =	simm.s32 @!p1 $0x5  }
0x2c6: {  	p0 =	slt.u32 @!p1 s26, $0x9;
	_ =	swait.ge @!p1 [sflag:s0], $0x80  }
0x2c7: {  	p0 =	por p1, p0;
	[sflag:s0] =	ssyncset.done @!p1 $0x0  }
0x2c8: {  	[sflag:s0] =	ssyncadd.s32 @!p1 $0xFFFFFF80;
	p1 =	seq.s32 @!p0 s26, $0x9  }
0x2c9: {  	p1 =	por p0, p1  }
.Ltmp42:
0x2ca: {  	_ = 	snop;
	(pc) =	sbr.rel @p1 .LBB2_63-.Ltmp42, $4  }
0x2cb: {  	s0 =	simm.s32 @!p0 $0x5  }
0x2cc: {  	_ =	swait.ge @!p0 [sflag:s0], $0x80  }
0x2cd: {  	[sflag:s0] =	ssyncset.done @!p0 $0x0  }
0x2ce: {  	[sflag:s0] =	ssyncadd.s32 @!p0 $0xFFFFFF80  }
0x2cf: {  	p0 =	slt.u32 s26, $0xB  }
0x2d0: {  	p1 =	seq.s32 @!p0 s26, $0xB  }
0x2d1: {  	s0 =	simm.s32 $0x5;
	p2 =	por p1, p0  }
0x2d2: {  	_ =	swait.ge [sflag:s0], $0x80;
	p3 =	slt.u32 @!p2 s26, $0xD  }
0x2d3: {  	[sflag:s0] =	ssyncset.done $0x0;
	s3 =	simm.s32 @!p3 $0x0;
	p4 =	por @!p0 p3, p1  }
0x2d4: {  	[sflag:s0] =	ssyncadd.s32 $0xFFFFFF80;
	s3 =	simm.s32 @p3 $0x1;
	p4 =	por p4, p0  }
0x2d5: {  	s0 =	simm.s32 @!p0 $0x5;
	[smem:$0x7F9] =	sst s3;
	p5 =	seq.s32 @!p4 s26, $0xD  }
0x2d6: {  	_ =	swait.ge @!p0 [sflag:s0], $0x80;
	s3 =	simm.s32 @!p5 $0x0  }
0x2d7: {  	[sflag:s0] =	ssyncset.done @!p0 $0x0;
	s3 =	simm.s32 @p5 $0x1  }
0x2d8: {  	[sflag:s0] =	ssyncadd.s32 @!p0 $0xFFFFFF80;
	s0 =	simm.s32 @!p2 $0x5;
	[smem:$0x7F8] =	sst s3  }
0x2d9: {  	_ =	swait.ge @!p2 [sflag:s0], $0x80  }
0x2da: {  	[sflag:s0] =	ssyncset.done @!p2 $0x0  }
0x2db: {  	[sflag:s0] =	ssyncadd.s32 @!p2 $0xFFFFFF80;
	s0 =	simm.s32 @!p4 $0x5  }
0x2dc: {  	_ =	swait.ge @!p4 [sflag:s0], $0x80  }
0x2dd: {  	p6 =	por @!p2 p5, p3;
	s29 =	sld [smem:$0x7F8]  }
0x2de: {  	p6 =	por @!p0 p6, p1;
	s30 =	sld [smem:$0x7F9]  }
0x2df: {  	p6 =	por p6, p0  }
0x2e0: {  	p5 =	slt.u32 @!p6 s26, $0xF;
	p3 =	seq.s32 s29, $0x1  }
0x2e1: {  	[sflag:s0] =	ssyncset.done @!p4 $0x0;
	p5 =	por @!p4 p5, p3;
	p3 =	seq.s32 s30, $0x1  }
0x2e2: {  	[sflag:s0] =	ssyncadd.s32 @!p4 $0xFFFFFF80;
	s0 =	simm.s32 @!p6 $0x5;
	p2 =	por @!p2 p5, p3  }
0x2e3: {  	_ =	swait.ge @!p6 [sflag:s0], $0x80;
	p1 =	por @!p0 p2, p1  }
.Ltmp43:
0x2e4: {  	[sflag:s0] =	ssyncset.done @!p6 $0x0;
	p0 =	por p1, p0;
	(pc) =	sbr.rel .LBB2_63-.Ltmp43, $4  }
0x2e5: {  	s31 =	sld [smem:$0x7FD];
	[sflag:s0] =	ssyncadd.s32 @!p6 $0xFFFFFF80;
	s0 =	simm.s32 @!p0 $0x5  }
0x2e6: {  	_ =	swait.ge @!p0 [sflag:s0], $0x80  }
0x2e7: {  	[sflag:s0] =	ssyncset.done @!p0 $0x0  }
0x2e8: {  	p2 =	seq.s32 s31, $0x1;
	[sflag:s0] =	ssyncadd.s32 @!p0 $0xFFFFFF80  }
.LBB2_2:
.Ltmp44:
0x2e9: {  	(pc) =	sbr.rel .LBB2_6-.Ltmp44, $2  }
0x2ea: {  	_ =	sdelay $0x2  }
0x2eb: {  	s3 =	simm.s32 $0x0;
	s0 =	simm.s32 $0x0  }
.LBB2_4:
.Ltmp45:
0x2ec: {  	(pc) =	sbr.rel .LBB2_6-.Ltmp45, $2  }
0x2ed: {  	_ =	sdelay $0x2  }
0x2ee: {  	s3 =	simm.s32 $0x0  }
.LBB2_10:
.Ltmp46:
0x2ef: {  	(pc) =	sbr.rel .LBB2_27-.Ltmp46, $2  }
0x2f0: {  	_ =	sdelay $0x2  }
0x2f1: {  	_ = 	snop  }
.LBB2_12:
.Ltmp47:
0x2f2: {  	(pc) =	sbr.rel .LBB2_27-.Ltmp47, $2  }
0x2f3: {  	_ =	sdelay $0x2  }
0x2f4: {  	_ = 	snop  }
.LBB2_14:
.Ltmp48:
0x2f5: {  	(pc) =	sbr.rel .LBB2_27-.Ltmp48, $2  }
0x2f6: {  	_ =	sdelay $0x2  }
0x2f7: {  	_ = 	snop  }
.LBB2_16:
.Ltmp49:
0x2f8: {  	(pc) =	sbr.rel .LBB2_27-.Ltmp49, $2  }
0x2f9: {  	_ =	sdelay $0x2  }
0x2fa: {  	_ = 	snop  }
.LBB2_18:
.Ltmp50:
0x2fb: {  	(pc) =	sbr.rel .LBB2_27-.Ltmp50, $2  }
0x2fc: {  	_ =	sdelay $0x3  }
0x2fd: {  	_ = 	snop  }
.LBB2_20:
.Ltmp51:
0x2fe: {  	_ = 	snop;
	(pc) =	sbr.rel .LBB2_27-.Ltmp51, $2  }
0x2ff: {  	_ =	sdelay $0x2  }
0x300: {  	v13 =	vmov v12  }
.LBB2_22:
.Ltmp52:
0x301: {  	_ = 	snop;
	(pc) =	sbr.rel .LBB2_27-.Ltmp52, $2  }
0x302: {  	_ =	sdelay $0x3  }
0x303: {  	s28 =	smov.u32 s6;
	v13 =	vmov v14  }
.LBB2_24:
.Ltmp53:
0x304: {  	(pc) =	sbr.rel .LBB2_27-.Ltmp53, $1  }
0x305: {  	_ =	sdelay $0x3  }
.LBB2_64:
0x306: {  	_ =	sfence.sel $0x180000  }
0x307: {  	[bflag:$0x0] =	sbarrier.arrive $0xFFFF  }
0x308: {  	_ =	strace $0x90000047  }
0x309: {  	s0 =	stileid.u32;
	[bflag:$0x2] =	sbarrier.arrive $0xFFFF  }
0x30a: {  	p0 =	sne.s32 s0, $0x0;
	s0 =	rddreg [dreg:$0x4]  }
0x30b: {  	s0 =	sadd.s32 @!p0 $0x100000, s0  }
0x30c: {  	[sflag:s0] =	ssyncadd.tile.s32 @!p0 $0x1;
	_ =	shalt  }
.Lfunc_end2:
_tile_overlayer_lowered:
.L_overlay_start_2:
0x30d: {  	(tag) =	ssettag $0x2  }
0x30e: {  	s0 =	rddreg [dreg:$0x0];
	s2 =	stileid.u32  }
0x30f: {  	s1 =	rddreg [dreg:$0x1];
	p0 =	sne.s32 s2, $0x0  }
0x310: {  	s3 =	rddreg [dreg:$0x2];
	[bflag:$0x3] =	sbarrier.arrive $0xFFFF;
	s2 =	simm.s32 @!p0 $0x1C06  }
0x311: {  	[timem:s3], [sflag:s2] =	dma.local @!p0 [hbm:s0], s1  }
0x312: {  	s0 =	simm.s32 @!p0 $0x6  }
0x313: {  	_ =	swait.ge @!p0 [sflag:s0], s1  }
0x314: {  	s1 =	ssub.s32 @!p0 $0x0, s1;
	[sflag:s0] =	ssyncset.done @!p0 $0x0  }
0x315: {  	[sflag:s0] =	ssyncadd.s32 @!p0 s1  }
0x316: {  	[bflag:$0x3] =	sbarrier.arrive $0xFFFF  }
0x317: {  	_ =	shalt  }

</sc_bundles>
